<compile_context>
chip_gen: v7x
topology: tpu7x:2x2x1
jax: 0.10.2.dev20260603
libtpu: 0.0.44.dev20260713+nightly
codegen_flags: <defaults>
</compile_context>

<pallas_src>
import functools

import jax
import jax.numpy as jnp
from jax import lax
from jax.experimental import pallas as pl
from jax.experimental.pallas import tpu as pltpu
from jax.experimental.pallas import tpu_sc as plsc

VOCAB = 4096
N_TOK = 8 * 2048
NC, NS, L = 2, 16, 16
NW = NC * NS
TPW = N_TOK // NW
CH = 4
NBUF = 6
GAHEAD = 4
NCHUNK = TPW // CH
NOUTER = 21


_LSE_RB = 256


def _lse_body(tbl_ref, lse_ref):
    x = tbl_ref[...]
    m = jnp.max(x, axis=-1, keepdims=True)
    s = jnp.sum(jnp.exp(x - m), axis=-1, keepdims=True)
    lse_ref[...] = m + jnp.log(s)


_lse_call = pl.pallas_call(
    _lse_body,
    grid=(VOCAB // _LSE_RB,),
    in_specs=[pl.BlockSpec((_LSE_RB, VOCAB), lambda i: (i, 0))],
    out_specs=pl.BlockSpec((_LSE_RB, 1), lambda i: (i, 0)),
    out_shape=jax.ShapeDtypeStruct((VOCAB, 1), jnp.float32),
)


_HV = 512
_HR = 128


def _lsesum_body(idx_ref, lse_ref, out_ref):
    step = pl.program_id(0)
    vcol = lax.broadcasted_iota(jnp.int32, (_HV, 1), 0) + step * _HV

    def body(r, h):
        row = idx_ref[pl.ds(r, 1), :]
        return h + (row == vcol).astype(jnp.float32)

    h = lax.fori_loop(0, _HR, body, jnp.zeros((_HV, 128), jnp.float32))
    hsum = jnp.sum(h, axis=1, keepdims=True)
    out_ref[...] = jnp.sum(hsum * lse_ref[...]).reshape(1, 1, 1)


_lsesum_call = pl.pallas_call(
    _lsesum_body,
    grid=(VOCAB // _HV,),
    in_specs=[
        pl.BlockSpec((_HR, 128), lambda i: (0, 0)),
        pl.BlockSpec((_HV, 1), lambda i: (i, 0)),
    ],
    out_specs=pl.BlockSpec((1, 1, 1), lambda i: (i, 0, 0)),
    out_shape=jax.ShapeDtypeStruct((VOCAB // _HV, 1, 1), jnp.float32),
)


_sc_mesh = plsc.VectorSubcoreMesh(
    core_axis_name="c", subcore_axis_name="s", num_cores=NC, num_subcores=NS
)


@functools.partial(
    pl.kernel,
    out_type=(
        jax.ShapeDtypeStruct((N_TOK, VOCAB), jnp.float32),
        jax.ShapeDtypeStruct((NW, L), jnp.float32),
    ),
    mesh=_sc_mesh,
    compiler_params=pltpu.CompilerParams(needs_layout_passes=False),
    scratch_types=[
        pltpu.VMEM((NBUF, CH, VOCAB), jnp.float32),
        pltpu.VMEM((1, TPW), jnp.int32),
        pltpu.VMEM((TPW,), jnp.int32),
        pltpu.VMEM((L,), jnp.float32),
        pltpu.SemaphoreType.DMA,
        pltpu.SemaphoreType.DMA,
        pltpu.SemaphoreType.DMA,
        pltpu.SemaphoreType.DMA,
        pltpu.SemaphoreType.DMA,
        pltpu.SemaphoreType.DMA,
        pltpu.SemaphoreType.DMA,
        pltpu.SemaphoreType.DMA,
        pltpu.SemaphoreType.DMA,
        pltpu.SemaphoreType.DMA,
        pltpu.SemaphoreType.DMA,
        pltpu.SemaphoreType.DMA,
    ],
)
def _sc_call(table, idx2, tgt2, logits_out, part_out,
             rows_v, idxg_v, tgt_v, acc_v,
             g0, g1, g2, g3, g4, g5, w0, w1, w2, w3, w4, w5):
    gsems = (g0, g1, g2, g3, g4, g5)
    wsems = (w0, w1, w2, w3, w4, w5)
    wid = lax.axis_index("s") * NC + lax.axis_index("c")
    base = wid * TPW

    def g_start(c, slot):
        pltpu.async_copy(
            table.at[idxg_v.at[0, pl.ds(c * CH, CH)]],
            rows_v.at[slot],
            gsems[slot],
        )

    def g_wait(c, slot):
        pltpu.make_async_copy(
            table.at[idxg_v.at[0, pl.ds(c * CH, CH)]],
            rows_v.at[slot],
            gsems[slot],
        ).wait()

    def w_start(c, slot):
        pltpu.async_copy(
            rows_v.at[slot],
            logits_out.at[pl.ds(base + c * CH, CH)],
            wsems[slot],
        )

    def w_wait(c, slot):
        pltpu.make_async_copy(
            rows_v.at[slot],
            logits_out.at[pl.ds(base + c * CH, CH)],
            wsems[slot],
        ).wait()

    pltpu.sync_copy(
        idx2.at[pl.ds(wid // 4, 1), pl.ds((wid % 4) * TPW, TPW)], idxg_v
    )
    for p in range(GAHEAD):
        g_start(p, p)
    pltpu.sync_copy(tgt2.at[pl.ds(base, TPW)], tgt_v)

    lanes = lax.iota(jnp.int32, L)
    rvec = lanes % CH
    lane_ok = lanes < CH

    def pick(g, slot, acc):
        cols = g * CH + rvec
        tvec = plsc.load_gather(tgt_v, [cols])
        svec = jnp.full((L,), slot, jnp.int32)
        pvec = plsc.load_gather(rows_v, [svec, rvec, tvec])
        return acc + jnp.where(lane_ok, pvec, 0.0)

    def outer(t, acc):
        for b in range(NBUF):
            g = t * NBUF + b
            g_wait(g, b)
            w_start(g, b)
            ns = (b + GAHEAD) % NBUF
            if b < 2:
                @pl.when(t >= 1)
                def _():
                    w_wait(g - 2, ns)
                g_start(g + GAHEAD, ns)
            elif b < 4:
                w_wait(g - 2, ns)
                g_start(g + GAHEAD, ns)
            else:
                @pl.when(t < NOUTER - 1)
                def _():
                    w_wait(g - 2, ns)
                    g_start(g + GAHEAD, ns)
            acc = pick(g, b, acc)
        return acc

    acc = lax.fori_loop(0, NOUTER, outer, jnp.zeros((L,), jnp.float32))
    for e, slot in ((NCHUNK - 2, 0), (NCHUNK - 1, 1)):
        g_wait(e, slot)
        w_start(e, slot)
        acc = pick(e, slot, acc)
    for k in range(NBUF):
        c = NCHUNK - NBUF + k
        w_wait(c, c % NBUF)

    acc_v[...] = acc
    pltpu.sync_copy(acc_v, part_out.at[wid])



def kernel(idx, targets, table):
    idx_i = idx.astype(jnp.int32)
    tgt_i = targets.reshape(-1).astype(jnp.int32)
    logits, picked_parts = _sc_call(table, idx_i, tgt_i)
    lse = _lse_call(table)
    lse_parts = _lsesum_call(idx_i.reshape(_HR, 128), lse)
    loss = (jnp.sum(lse_parts) - jnp.sum(picked_parts)) * (1.0 / N_TOK)
    return (logits, loss)

# --- scband reference (transcript-rebuilt; emitter-appended) ---
"""Pipeline reference for scband-bigram-model-44727789421241 (READ-ONLY COPY).

The authoritative reference and input builder live on the scoring server;
editing this copy changes nothing except your own understanding.
"""

import jax, jax.numpy as jnp
import numpy as np

VOCAB = 4096
B, T = 8, 2048

def setup_inputs(seed: int = 0) -> dict:
    key = jax.random.key(seed)
    k1, k2, k3 = jax.random.split(key, 3)
    idx = jax.random.randint(k1, (B, T), 0, VOCAB, dtype=jnp.int64 if jax.config.jax_enable_x64 else jnp.int32)
    targets = jax.random.randint(k2, (B * T,), 0, VOCAB, dtype=jnp.int64 if jax.config.jax_enable_x64 else jnp.int32)
    table = jax.random.normal(k3, (VOCAB, VOCAB), dtype=jnp.float32)
    return {"idx": idx, "targets": targets, "table": table}

def reference(idx, targets, table):
    # embedding lookup: each token id gathers a full row of raw bigram scores
    logits = jnp.take(table, idx, axis=0)            # [B, T, C]
    Bq, Tq, C = logits.shape
    logits = logits.reshape(Bq * Tq, C)              # [B*T, C]
    # F.cross_entropy(logits, targets): mean of -log_softmax picked at target
    logp = jax.nn.log_softmax(logits, axis=-1)
    nll = -jnp.take_along_axis(logp, targets[:, None], axis=1)[:, 0]
    loss = jnp.mean(nll)
    return (logits, loss)

if __name__ == "__main__":
    import jax
    _d = setup_inputs()
    print(jax.jit(kernel)(*tuple(_d.values())))

</pallas_src>

<mosaic_0001>
#map = affine_map<(d0, d1) -> (0, 0)>
#map1 = affine_map<(d0, d1) -> (0)>
module attributes {stable_mosaic.version = 14 : i64} {
  func.func @_sc_call(%arg0: i32, %arg1: i32, %arg2: memref<4096x4096xf32, #tpu.memory_space<hbm>>, %arg3: memref<8x2048xi32, #tpu.memory_space<hbm>>, %arg4: memref<16384xi32, #tpu.memory_space<hbm>>, %arg5: memref<16384x4096xf32, #tpu.memory_space<hbm>>, %arg6: memref<32x16xf32, #tpu.memory_space<hbm>>, %arg7: memref<6x4x4096xf32, #tpu.memory_space<vmem>>, %arg8: memref<1x512xi32, #tpu.memory_space<vmem>>, %arg9: memref<512xi32, #tpu.memory_space<vmem>>, %arg10: memref<16xf32, #tpu.memory_space<vmem>>, %arg11: memref<!tpu.dma_semaphore, #tpu.memory_space<semaphore_mem>>, %arg12: memref<!tpu.dma_semaphore, #tpu.memory_space<semaphore_mem>>, %arg13: memref<!tpu.dma_semaphore, #tpu.memory_space<semaphore_mem>>, %arg14: memref<!tpu.dma_semaphore, #tpu.memory_space<semaphore_mem>>, %arg15: memref<!tpu.dma_semaphore, #tpu.memory_space<semaphore_mem>>, %arg16: memref<!tpu.dma_semaphore, #tpu.memory_space<semaphore_mem>>, %arg17: memref<!tpu.dma_semaphore, #tpu.memory_space<semaphore_mem>>, %arg18: memref<!tpu.dma_semaphore, #tpu.memory_space<semaphore_mem>>, %arg19: memref<!tpu.dma_semaphore, #tpu.memory_space<semaphore_mem>>, %arg20: memref<!tpu.dma_semaphore, #tpu.memory_space<semaphore_mem>>, %arg21: memref<!tpu.dma_semaphore, #tpu.memory_space<semaphore_mem>>, %arg22: memref<!tpu.dma_semaphore, #tpu.memory_space<semaphore_mem>>) attributes {dimension_semantics = [#tpu.dimension_semantics<core_parallel>, #tpu.dimension_semantics<subcore_parallel>], iteration_bounds = array<i64: 2, 16>, scalar_prefetch = 0 : i64, scratch_operands = 16 : i64, tpu.core_type = #tpu.core_type<sc_vector_subcore>, window_params = [{transform_indices = #map}, {transform_indices = #map}, {transform_indices = #map1}, {transform_indices = #map}, {transform_indices = #map}]} {
    %mul3A = arith.constant 2 : i32
    %mul3A_0 = arith.muli %arg1, %mul3A : i32
    %add3A = arith.addi %mul3A_0, %arg0 : i32
    %mul3A_1 = arith.constant 512 : i32
    %mul3A_2 = arith.muli %add3A, %mul3A_1 : i32
    %jit3A = arith.constant 4 : i32
    %div3A = arith.divsi %add3A, %jit3A : i32
    %sign3A = arith.constant 0 : i32
    %sign3A_3 = arith.cmpi sgt, %add3A, %sign3A : i32
    %sign3A_4 = arith.extui %sign3A_3 : i1 to i32
    %sign3A_5 = arith.constant 0 : i32
    %sign3A_6 = arith.cmpi slt, %add3A, %sign3A_5 : i32
    %sign3A_7 = arith.extui %sign3A_6 : i1 to i32
    %sign3A_8 = arith.subi %sign3A_4, %sign3A_7 : i32
    %sign3A_9 = arith.constant 0 : i32
    %sign3A_10 = arith.cmpi sgt, %jit3A, %sign3A_9 : i32
    %sign3A_11 = arith.extui %sign3A_10 : i1 to i32
    %sign3A_12 = arith.constant 0 : i32
    %sign3A_13 = arith.cmpi slt, %jit3A, %sign3A_12 : i32
    %sign3A_14 = arith.extui %sign3A_13 : i1 to i32
    %sign3A_15 = arith.subi %sign3A_11, %sign3A_14 : i32
    %ne3A = arith.cmpi ne, %sign3A_8, %sign3A_15 : i32
    %rem3A = arith.remsi %add3A, %jit3A : i32
    %ne3A_16 = arith.constant 0 : i32
    %ne3A_17 = arith.cmpi ne, %rem3A, %ne3A_16 : i32
    %and3A = arith.andi %ne3A, %ne3A_17 : i1
    %sub3A = arith.constant 1 : i32
    %sub3A_18 = arith.subi %div3A, %sub3A : i32
    %select_n3A = arith.select %and3A, %sub3A_18, %div3A : i32
    %jit3A_19 = arith.constant 4 : i32
    %eq3A = arith.constant 0 : i32
    %eq3A_20 = arith.cmpi eq, %jit3A_19, %eq3A : i32
    %jit3A_21 = arith.constant 1 : i32
    %select_n3A_22 = arith.select %eq3A_20, %jit3A_21, %jit3A_19 : i32
    %rem3A_23 = arith.remsi %add3A, %select_n3A_22 : i32
    %ne3A_24 = arith.constant 0 : i32
    %ne3A_25 = arith.cmpi ne, %rem3A_23, %ne3A_24 : i32
    %lt3A = arith.constant 0 : i32
    %lt3A_26 = arith.cmpi slt, %rem3A_23, %lt3A : i32
    %lt3A_27 = arith.constant 0 : i32
    %lt3A_28 = arith.cmpi slt, %select_n3A_22, %lt3A_27 : i32
    %ne3A_29 = arith.xori %lt3A_26, %lt3A_28 : i1
    %and3A_30 = arith.andi %ne3A_29, %ne3A_25 : i1
    %add3A_31 = arith.addi %rem3A_23, %select_n3A_22 : i32
    %select_n3A_32 = arith.select %and3A_30, %add3A_31, %rem3A_23 : i32
    %mul3A_33 = arith.constant 512 : i32
    %mul3A_34 = arith.muli %select_n3A_32, %mul3A_33 : i32
    "tpu.region"() ({
      %run_scoped3A = tpu.sem_alloc : memref<!tpu.dma_semaphore, #tpu.memory_space<semaphore_mem>>
      %dma_start3A_278 = tpu.memref_slice %arg3[%select_n3A, %mul3A_34] : memref<8x2048xi32, #tpu.memory_space<hbm>> -> memref<1x512xi32, #tpu.memory_space<hbm>>
      %dma_start3A_279 = tpu.memref_slice %arg3[%select_n3A, %mul3A_34] : memref<8x2048xi32, #tpu.memory_space<hbm>> -> memref<1x512xi32, #tpu.memory_space<hbm>>
      tpu.enqueue_dma source(%dma_start3A_279 : memref<1x512xi32, #tpu.memory_space<hbm>>) target(%arg8 : memref<1x512xi32, #tpu.memory_space<vmem>>) target_semaphore(%run_scoped3A : memref<!tpu.dma_semaphore, #tpu.memory_space<semaphore_mem>>)
      %dma_wait3A_280 = tpu.memref_slice %arg3[%select_n3A, %mul3A_34] : memref<8x2048xi32, #tpu.memory_space<hbm>> -> memref<1x512xi32, #tpu.memory_space<hbm>>
      %dma_wait3A_281 = tpu.memref_slice %arg3[%select_n3A, %mul3A_34] : memref<8x2048xi32, #tpu.memory_space<hbm>> -> memref<1x512xi32, #tpu.memory_space<hbm>>
      tpu.wait_dma2 semaphore(%run_scoped3A : memref<!tpu.dma_semaphore, #tpu.memory_space<semaphore_mem>>) src(%dma_wait3A_281 : memref<1x512xi32, #tpu.memory_space<hbm>>) dst(%arg8 : memref<1x512xi32, #tpu.memory_space<vmem>>)
      tpu.yield
    }) : () -> ()
    %dma_start3A = arith.constant 0 : i32
    %dma_start3A_35 = arith.constant 0 : i32
    %dma_start3A_36 = arith.constant 0 : i32
    %dma_start3A_37 = arith.constant 0 : i32
    %dma_start3A_38 = tpu.memref_slice %arg7[%dma_start3A_35, %dma_start3A_36, %dma_start3A_37] : memref<6x4x4096xf32, #tpu.memory_space<vmem>> -> memref<1x4x4096xf32, #tpu.memory_space<vmem>>
    %dma_start3A_39 = tpu.memref_squeeze %dma_start3A_38 : memref<1x4x4096xf32, #tpu.memory_space<vmem>> -> memref<4x4096xf32, #tpu.memory_space<vmem>>
    %dma_start3A_40 = arith.constant 0 : i32
    %dma_start3A_41 = tpu.memref_slice %arg8[%dma_start3A, %dma_start3A_40] : memref<1x512xi32, #tpu.memory_space<vmem>> -> memref<1x4xi32, #tpu.memory_space<vmem>>
    %dma_start3A_42 = tpu.memref_squeeze %dma_start3A_41 : memref<1x4xi32, #tpu.memory_space<vmem>> -> memref<4xi32, #tpu.memory_space<vmem>>
    %dma_start3A_43 = arith.constant 0 : i32
    %dma_start3A_44 = arith.constant 0 : i32
    %dma_start3A_45 = tpu.memref_slice %arg2[%dma_start3A_43, %dma_start3A_44] : memref<4096x4096xf32, #tpu.memory_space<hbm>> -> memref<4096x4096xf32, #tpu.memory_space<hbm>>
    tpu.enqueue_indirect_dma source(%dma_start3A_45 : memref<4096x4096xf32, #tpu.memory_space<hbm>>) target(%dma_start3A_39 : memref<4x4096xf32, #tpu.memory_space<vmem>>) offsets(%dma_start3A_42 : memref<4xi32, #tpu.memory_space<vmem>>) semaphore(%arg11 : memref<!tpu.dma_semaphore, #tpu.memory_space<semaphore_mem>>)
    %dma_start3A_46 = arith.constant 0 : i32
    %dma_start3A_47 = arith.constant 1 : i32
    %dma_start3A_48 = arith.constant 0 : i32
    %dma_start3A_49 = arith.constant 0 : i32
    %dma_start3A_50 = tpu.memref_slice %arg7[%dma_start3A_47, %dma_start3A_48, %dma_start3A_49] : memref<6x4x4096xf32, #tpu.memory_space<vmem>> -> memref<1x4x4096xf32, #tpu.memory_space<vmem>>
    %dma_start3A_51 = tpu.memref_squeeze %dma_start3A_50 : memref<1x4x4096xf32, #tpu.memory_space<vmem>> -> memref<4x4096xf32, #tpu.memory_space<vmem>>
    %dma_start3A_52 = arith.constant 4 : i32
    %dma_start3A_53 = tpu.memref_slice %arg8[%dma_start3A_46, %dma_start3A_52] : memref<1x512xi32, #tpu.memory_space<vmem>> -> memref<1x4xi32, #tpu.memory_space<vmem>>
    %dma_start3A_54 = tpu.memref_squeeze %dma_start3A_53 : memref<1x4xi32, #tpu.memory_space<vmem>> -> memref<4xi32, #tpu.memory_space<vmem>>
    %dma_start3A_55 = arith.constant 0 : i32
    %dma_start3A_56 = arith.constant 0 : i32
    %dma_start3A_57 = tpu.memref_slice %arg2[%dma_start3A_55, %dma_start3A_56] : memref<4096x4096xf32, #tpu.memory_space<hbm>> -> memref<4096x4096xf32, #tpu.memory_space<hbm>>
    tpu.enqueue_indirect_dma source(%dma_start3A_57 : memref<4096x4096xf32, #tpu.memory_space<hbm>>) target(%dma_start3A_51 : memref<4x4096xf32, #tpu.memory_space<vmem>>) offsets(%dma_start3A_54 : memref<4xi32, #tpu.memory_space<vmem>>) semaphore(%arg12 : memref<!tpu.dma_semaphore, #tpu.memory_space<semaphore_mem>>)
    %dma_start3A_58 = arith.constant 0 : i32
    %dma_start3A_59 = arith.constant 2 : i32
    %dma_start3A_60 = arith.constant 0 : i32
    %dma_start3A_61 = arith.constant 0 : i32
    %dma_start3A_62 = tpu.memref_slice %arg7[%dma_start3A_59, %dma_start3A_60, %dma_start3A_61] : memref<6x4x4096xf32, #tpu.memory_space<vmem>> -> memref<1x4x4096xf32, #tpu.memory_space<vmem>>
    %dma_start3A_63 = tpu.memref_squeeze %dma_start3A_62 : memref<1x4x4096xf32, #tpu.memory_space<vmem>> -> memref<4x4096xf32, #tpu.memory_space<vmem>>
    %dma_start3A_64 = arith.constant 8 : i32
    %dma_start3A_65 = tpu.memref_slice %arg8[%dma_start3A_58, %dma_start3A_64] : memref<1x512xi32, #tpu.memory_space<vmem>> -> memref<1x4xi32, #tpu.memory_space<vmem>>
    %dma_start3A_66 = tpu.memref_squeeze %dma_start3A_65 : memref<1x4xi32, #tpu.memory_space<vmem>> -> memref<4xi32, #tpu.memory_space<vmem>>
    %dma_start3A_67 = arith.constant 0 : i32
    %dma_start3A_68 = arith.constant 0 : i32
    %dma_start3A_69 = tpu.memref_slice %arg2[%dma_start3A_67, %dma_start3A_68] : memref<4096x4096xf32, #tpu.memory_space<hbm>> -> memref<4096x4096xf32, #tpu.memory_space<hbm>>
    tpu.enqueue_indirect_dma source(%dma_start3A_69 : memref<4096x4096xf32, #tpu.memory_space<hbm>>) target(%dma_start3A_63 : memref<4x4096xf32, #tpu.memory_space<vmem>>) offsets(%dma_start3A_66 : memref<4xi32, #tpu.memory_space<vmem>>) semaphore(%arg13 : memref<!tpu.dma_semaphore, #tpu.memory_space<semaphore_mem>>)
    %dma_start3A_70 = arith.constant 0 : i32
    %dma_start3A_71 = arith.constant 3 : i32
    %dma_start3A_72 = arith.constant 0 : i32
    %dma_start3A_73 = arith.constant 0 : i32
    %dma_start3A_74 = tpu.memref_slice %arg7[%dma_start3A_71, %dma_start3A_72, %dma_start3A_73] : memref<6x4x4096xf32, #tpu.memory_space<vmem>> -> memref<1x4x4096xf32, #tpu.memory_space<vmem>>
    %dma_start3A_75 = tpu.memref_squeeze %dma_start3A_74 : memref<1x4x4096xf32, #tpu.memory_space<vmem>> -> memref<4x4096xf32, #tpu.memory_space<vmem>>
    %dma_start3A_76 = arith.constant 12 : i32
    %dma_start3A_77 = tpu.memref_slice %arg8[%dma_start3A_70, %dma_start3A_76] : memref<1x512xi32, #tpu.memory_space<vmem>> -> memref<1x4xi32, #tpu.memory_space<vmem>>
    %dma_start3A_78 = tpu.memref_squeeze %dma_start3A_77 : memref<1x4xi32, #tpu.memory_space<vmem>> -> memref<4xi32, #tpu.memory_space<vmem>>
    %dma_start3A_79 = arith.constant 0 : i32
    %dma_start3A_80 = arith.constant 0 : i32
    %dma_start3A_81 = tpu.memref_slice %arg2[%dma_start3A_79, %dma_start3A_80] : memref<4096x4096xf32, #tpu.memory_space<hbm>> -> memref<4096x4096xf32, #tpu.memory_space<hbm>>
    tpu.enqueue_indirect_dma source(%dma_start3A_81 : memref<4096x4096xf32, #tpu.memory_space<hbm>>) target(%dma_start3A_75 : memref<4x4096xf32, #tpu.memory_space<vmem>>) offsets(%dma_start3A_78 : memref<4xi32, #tpu.memory_space<vmem>>) semaphore(%arg14 : memref<!tpu.dma_semaphore, #tpu.memory_space<semaphore_mem>>)
    "tpu.region"() ({
      %run_scoped3A = tpu.sem_alloc : memref<!tpu.dma_semaphore, #tpu.memory_space<semaphore_mem>>
      %dma_start3A_278 = tpu.memref_slice %arg4[%mul3A_2] : memref<16384xi32, #tpu.memory_space<hbm>> -> memref<512xi32, #tpu.memory_space<hbm>>
      %dma_start3A_279 = tpu.memref_slice %arg4[%mul3A_2] : memref<16384xi32, #tpu.memory_space<hbm>> -> memref<512xi32, #tpu.memory_space<hbm>>
      tpu.enqueue_dma source(%dma_start3A_279 : memref<512xi32, #tpu.memory_space<hbm>>) target(%arg9 : memref<512xi32, #tpu.memory_space<vmem>>) target_semaphore(%run_scoped3A : memref<!tpu.dma_semaphore, #tpu.memory_space<semaphore_mem>>)
      %dma_wait3A_280 = tpu.memref_slice %arg4[%mul3A_2] : memref<16384xi32, #tpu.memory_space<hbm>> -> memref<512xi32, #tpu.memory_space<hbm>>
      %dma_wait3A_281 = tpu.memref_slice %arg4[%mul3A_2] : memref<16384xi32, #tpu.memory_space<hbm>> -> memref<512xi32, #tpu.memory_space<hbm>>
      tpu.wait_dma2 semaphore(%run_scoped3A : memref<!tpu.dma_semaphore, #tpu.memory_space<semaphore_mem>>) src(%dma_wait3A_281 : memref<512xi32, #tpu.memory_space<hbm>>) dst(%arg9 : memref<512xi32, #tpu.memory_space<vmem>>)
      tpu.yield
    }) : () -> ()
    %iota3A = tpu.iota {dimensions = array<i32: 0>} : vector<16xi32>
    %jit3A_82 = arith.constant 4 : i32
    %eq3A_83 = arith.constant 0 : i32
    %eq3A_84 = arith.cmpi eq, %jit3A_82, %eq3A_83 : i32
    %jit3A_85 = arith.constant 1 : i32
    %select_n3A_86 = arith.select %eq3A_84, %jit3A_85, %jit3A_82 : i32
    %rem3A_87 = vector.broadcast %select_n3A_86 : i32 to vector<16xi32>
    %rem3A_88 = arith.remsi %iota3A, %rem3A_87 : vector<16xi32>
    %ne3A_89 = arith.constant 0 : i32
    %ne3A_90 = vector.broadcast %ne3A_89 : i32 to vector<16xi32>
    %ne3A_91 = arith.cmpi ne, %rem3A_88, %ne3A_90 : vector<16xi32>
    %lt3A_92 = arith.constant 0 : i32
    %lt3A_93 = vector.broadcast %lt3A_92 : i32 to vector<16xi32>
    %lt3A_94 = arith.cmpi slt, %rem3A_88, %lt3A_93 : vector<16xi32>
    %lt3A_95 = arith.constant 0 : i32
    %lt3A_96 = arith.cmpi slt, %select_n3A_86, %lt3A_95 : i32
    %ne3A_97 = vector.broadcast %lt3A_96 : i1 to vector<16xi1>
    %ne3A_98 = vector.broadcast %ne3A_97 : vector<16xi1> to vector<16xi1>
    %ne3A_99 = arith.xori %lt3A_94, %ne3A_98 : vector<16xi1>
    %and3A_100 = arith.andi %ne3A_99, %ne3A_91 : vector<16xi1>
    %add3A_101 = vector.broadcast %select_n3A_86 : i32 to vector<16xi32>
    %add3A_102 = arith.addi %rem3A_88, %add3A_101 : vector<16xi32>
    %select_n3A_103 = arith.select %and3A_100, %add3A_102, %rem3A_88 : vector<16xi1>, vector<16xi32>
    %lt3A_104 = arith.constant 4 : i32
    %lt3A_105 = vector.broadcast %lt3A_104 : i32 to vector<16xi32>
    %lt3A_106 = arith.cmpi slt, %iota3A, %lt3A_105 : vector<16xi32>
    %broadcast_in_dim3A = arith.constant 0.000000e+00 : f32
    %broadcast_in_dim3A_107 = vector.broadcast %broadcast_in_dim3A : f32 to vector<16xf32>
    %scan3A = arith.constant 0 : i32
    %scan3A_108 = arith.constant 21 : i32
    %scan3A_109 = arith.addi %scan3A, %scan3A_108 : i32
    %scan3A_110 = arith.constant 1 : i32
    %scan3A_111 = scf.for %scan3A_278 = %scan3A to %scan3A_109 step %scan3A_110 iter_args(%scan3A_279 = %broadcast_in_dim3A_107) -> (vector<16xf32>)  : i32 {
      %mul3A_280 = arith.constant 6 : i32
      %mul3A_281 = arith.muli %scan3A_278, %mul3A_280 : i32
      %add3A_282 = arith.constant 0 : i32
      %add3A_283 = arith.addi %mul3A_281, %add3A_282 : i32
      %mul3A_284 = arith.constant 4 : i32
      %mul3A_285 = arith.muli %add3A_283, %mul3A_284 : i32
      %dma_wait3A_286 = arith.constant 0 : i32
      %dma_wait3A_287 = arith.constant 0 : i32
      %dma_wait3A_288 = arith.constant 0 : i32
      %dma_wait3A_289 = arith.constant 0 : i32
      %dma_wait3A_290 = tpu.memref_slice %arg7[%dma_wait3A_287, %dma_wait3A_288, %dma_wait3A_289] : memref<6x4x4096xf32, #tpu.memory_space<vmem>> -> memref<1x4x4096xf32, #tpu.memory_space<vmem>>
      %dma_wait3A_291 = tpu.memref_squeeze %dma_wait3A_290 : memref<1x4x4096xf32, #tpu.memory_space<vmem>> -> memref<4x4096xf32, #tpu.memory_space<vmem>>
      %dma_wait3A_292 = tpu.memref_slice %arg8[%dma_wait3A_286, %mul3A_285] : memref<1x512xi32, #tpu.memory_space<vmem>> -> memref<1x4xi32, #tpu.memory_space<vmem>>
      %dma_wait3A_293 = tpu.memref_squeeze %dma_wait3A_292 : memref<1x4xi32, #tpu.memory_space<vmem>> -> memref<4xi32, #tpu.memory_space<vmem>>
      %dma_wait3A_294 = arith.constant 0 : i32
      %dma_wait3A_295 = arith.constant 0 : i32
      %dma_wait3A_296 = tpu.memref_slice %arg2[%dma_wait3A_294, %dma_wait3A_295] : memref<4096x4096xf32, #tpu.memory_space<hbm>> -> memref<4096x4096xf32, #tpu.memory_space<hbm>>
      tpu.wait_indirect_dma semaphore(%arg11 : memref<!tpu.dma_semaphore, #tpu.memory_space<semaphore_mem>>) src(%dma_wait3A_296 : memref<4096x4096xf32, #tpu.memory_space<hbm>>) dst(%dma_wait3A_291 : memref<4x4096xf32, #tpu.memory_space<vmem>>)
      %mul3A_297 = arith.constant 4 : i32
      %mul3A_298 = arith.muli %add3A_283, %mul3A_297 : i32
      %add3A_299 = arith.addi %mul3A_2, %mul3A_298 : i32
      %dma_start3A_300 = arith.constant 0 : i32
      %dma_start3A_301 = arith.constant 0 : i32
      %dma_start3A_302 = arith.constant 0 : i32
      %dma_start3A_303 = tpu.memref_slice %arg7[%dma_start3A_300, %dma_start3A_301, %dma_start3A_302] : memref<6x4x4096xf32, #tpu.memory_space<vmem>> -> memref<1x4x4096xf32, #tpu.memory_space<vmem>>
      %dma_start3A_304 = tpu.memref_squeeze %dma_start3A_303 : memref<1x4x4096xf32, #tpu.memory_space<vmem>> -> memref<4x4096xf32, #tpu.memory_space<vmem>>
      %dma_start3A_305 = arith.constant 0 : i32
      %dma_start3A_306 = tpu.memref_slice %arg5[%add3A_299, %dma_start3A_305] : memref<16384x4096xf32, #tpu.memory_space<hbm>> -> memref<4x4096xf32, #tpu.memory_space<hbm>>
      %dma_start3A_307 = arith.constant 0 : i32
      %dma_start3A_308 = tpu.memref_slice %arg5[%add3A_299, %dma_start3A_307] : memref<16384x4096xf32, #tpu.memory_space<hbm>> -> memref<4x4096xf32, #tpu.memory_space<hbm>>
      %dma_start3A_309 = arith.constant 0 : i32
      %dma_start3A_310 = arith.constant 0 : i32
      %dma_start3A_311 = tpu.memref_slice %arg7[%dma_start3A_300, %dma_start3A_309, %dma_start3A_310] : memref<6x4x4096xf32, #tpu.memory_space<vmem>> -> memref<1x4x4096xf32, #tpu.memory_space<vmem>>
      %dma_start3A_312 = tpu.memref_squeeze %dma_start3A_311 : memref<1x4x4096xf32, #tpu.memory_space<vmem>> -> memref<4x4096xf32, #tpu.memory_space<vmem>>
      tpu.enqueue_dma source(%dma_start3A_312 : memref<4x4096xf32, #tpu.memory_space<vmem>>) target(%dma_start3A_308 : memref<4x4096xf32, #tpu.memory_space<hbm>>) target_semaphore(%arg17 : memref<!tpu.dma_semaphore, #tpu.memory_space<semaphore_mem>>)
      %ge3A = arith.constant 1 : i32
      %ge3A_313 = arith.cmpi sge, %scan3A_278, %ge3A : i32
      %convert_element_type3A = arith.extui %ge3A_313 : i1 to i32
      %cond3A = arith.constant 0 : i32
      %cond3A_314 = arith.cmpi ne, %convert_element_type3A, %cond3A : i32
      scf.if %cond3A_314 {
        %sub3A_663 = arith.constant 2 : i32
        %sub3A_664 = arith.subi %add3A_283, %sub3A_663 : i32
        %mul3A_665 = arith.constant 4 : i32
        %mul3A_666 = arith.muli %sub3A_664, %mul3A_665 : i32
        %add3A_667 = arith.addi %mul3A_2, %mul3A_666 : i32
        %dma_wait3A_668 = arith.constant 4 : i32
        %dma_wait3A_669 = arith.constant 0 : i32
        %dma_wait3A_670 = arith.constant 0 : i32
        %dma_wait3A_671 = tpu.memref_slice %arg7[%dma_wait3A_668, %dma_wait3A_669, %dma_wait3A_670] : memref<6x4x4096xf32, #tpu.memory_space<vmem>> -> memref<1x4x4096xf32, #tpu.memory_space<vmem>>
        %dma_wait3A_672 = tpu.memref_squeeze %dma_wait3A_671 : memref<1x4x4096xf32, #tpu.memory_space<vmem>> -> memref<4x4096xf32, #tpu.memory_space<vmem>>
        %dma_wait3A_673 = arith.constant 0 : i32
        %dma_wait3A_674 = tpu.memref_slice %arg5[%add3A_667, %dma_wait3A_673] : memref<16384x4096xf32, #tpu.memory_space<hbm>> -> memref<4x4096xf32, #tpu.memory_space<hbm>>
        %dma_wait3A_675 = arith.constant 0 : i32
        %dma_wait3A_676 = tpu.memref_slice %arg5[%add3A_667, %dma_wait3A_675] : memref<16384x4096xf32, #tpu.memory_space<hbm>> -> memref<4x4096xf32, #tpu.memory_space<hbm>>
        %dma_wait3A_677 = arith.constant 0 : i32
        %dma_wait3A_678 = arith.constant 0 : i32
        %dma_wait3A_679 = tpu.memref_slice %arg7[%dma_wait3A_668, %dma_wait3A_677, %dma_wait3A_678] : memref<6x4x4096xf32, #tpu.memory_space<vmem>> -> memref<1x4x4096xf32, #tpu.memory_space<vmem>>
        %dma_wait3A_680 = tpu.memref_squeeze %dma_wait3A_679 : memref<1x4x4096xf32, #tpu.memory_space<vmem>> -> memref<4x4096xf32, #tpu.memory_space<vmem>>
        tpu.wait_dma2 semaphore(%arg21 : memref<!tpu.dma_semaphore, #tpu.memory_space<semaphore_mem>>) src(%dma_wait3A_680 : memref<4x4096xf32, #tpu.memory_space<vmem>>) dst(%dma_wait3A_676 : memref<4x4096xf32, #tpu.memory_space<hbm>>)
      } else {
      }
      %add3A_315 = arith.constant 4 : i32
      %add3A_316 = arith.addi %add3A_283, %add3A_315 : i32
      %mul3A_317 = arith.constant 4 : i32
      %mul3A_318 = arith.muli %add3A_316, %mul3A_317 : i32
      %dma_start3A_319 = arith.constant 0 : i32
      %dma_start3A_320 = arith.constant 4 : i32
      %dma_start3A_321 = arith.constant 0 : i32
      %dma_start3A_322 = arith.constant 0 : i32
      %dma_start3A_323 = tpu.memref_slice %arg7[%dma_start3A_320, %dma_start3A_321, %dma_start3A_322] : memref<6x4x4096xf32, #tpu.memory_space<vmem>> -> memref<1x4x4096xf32, #tpu.memory_space<vmem>>
      %dma_start3A_324 = tpu.memref_squeeze %dma_start3A_323 : memref<1x4x4096xf32, #tpu.memory_space<vmem>> -> memref<4x4096xf32, #tpu.memory_space<vmem>>
      %dma_start3A_325 = tpu.memref_slice %arg8[%dma_start3A_319, %mul3A_318] : memref<1x512xi32, #tpu.memory_space<vmem>> -> memref<1x4xi32, #tpu.memory_space<vmem>>
      %dma_start3A_326 = tpu.memref_squeeze %dma_start3A_325 : memref<1x4xi32, #tpu.memory_space<vmem>> -> memref<4xi32, #tpu.memory_space<vmem>>
      %dma_start3A_327 = arith.constant 0 : i32
      %dma_start3A_328 = arith.constant 0 : i32
      %dma_start3A_329 = tpu.memref_slice %arg2[%dma_start3A_327, %dma_start3A_328] : memref<4096x4096xf32, #tpu.memory_space<hbm>> -> memref<4096x4096xf32, #tpu.memory_space<hbm>>
      tpu.enqueue_indirect_dma source(%dma_start3A_329 : memref<4096x4096xf32, #tpu.memory_space<hbm>>) target(%dma_start3A_324 : memref<4x4096xf32, #tpu.memory_space<vmem>>) offsets(%dma_start3A_326 : memref<4xi32, #tpu.memory_space<vmem>>) semaphore(%arg15 : memref<!tpu.dma_semaphore, #tpu.memory_space<semaphore_mem>>)
      %mul3A_330 = arith.constant 4 : i32
      %mul3A_331 = arith.muli %add3A_283, %mul3A_330 : i32
      %add3A_332 = vector.broadcast %mul3A_331 : i32 to vector<16xi32>
      %add3A_333 = arith.addi %add3A_332, %select_n3A_103 : vector<16xi32>
      %gather3A_334 = tpu.vector_load_idx %arg9[%add3A_333] : memref<512xi32, #tpu.memory_space<vmem>>[vector<16xi32>], vector<16xi32>,
      %broadcast_in_dim3A_335 = arith.constant 0 : i32
      %broadcast_in_dim3A_336 = vector.broadcast %broadcast_in_dim3A_335 : i32 to vector<16xi32>
      %gather3A_337 = tpu.vector_load_idx %arg7[%broadcast_in_dim3A_336, %select_n3A_103, %gather3A_334] : memref<6x4x4096xf32, #tpu.memory_space<vmem>>[vector<16xi32>, vector<16xi32>, vector<16xi32>], vector<16xf32>,
      %jit3A_338 = arith.constant 0.000000e+00 : f32
      %broadcast_in_dim3A_339 = vector.broadcast %jit3A_338 : f32 to vector<16xf32>
      %select_n3A_340 = arith.select %lt3A_106, %gather3A_337, %broadcast_in_dim3A_339 : vector<16xi1>, vector<16xf32>
      %add3A_341 = arith.addf %scan3A_279, %select_n3A_340 : vector<16xf32>
      %mul3A_342 = arith.constant 6 : i32
      %mul3A_343 = arith.muli %scan3A_278, %mul3A_342 : i32
      %add3A_344 = arith.constant 1 : i32
      %add3A_345 = arith.addi %mul3A_343, %add3A_344 : i32
      %mul3A_346 = arith.constant 4 : i32
      %mul3A_347 = arith.muli %add3A_345, %mul3A_346 : i32
      %dma_wait3A_348 = arith.constant 0 : i32
      %dma_wait3A_349 = arith.constant 1 : i32
      %dma_wait3A_350 = arith.constant 0 : i32
      %dma_wait3A_351 = arith.constant 0 : i32
      %dma_wait3A_352 = tpu.memref_slice %arg7[%dma_wait3A_349, %dma_wait3A_350, %dma_wait3A_351] : memref<6x4x4096xf32, #tpu.memory_space<vmem>> -> memref<1x4x4096xf32, #tpu.memory_space<vmem>>
      %dma_wait3A_353 = tpu.memref_squeeze %dma_wait3A_352 : memref<1x4x4096xf32, #tpu.memory_space<vmem>> -> memref<4x4096xf32, #tpu.memory_space<vmem>>
      %dma_wait3A_354 = tpu.memref_slice %arg8[%dma_wait3A_348, %mul3A_347] : memref<1x512xi32, #tpu.memory_space<vmem>> -> memref<1x4xi32, #tpu.memory_space<vmem>>
      %dma_wait3A_355 = tpu.memref_squeeze %dma_wait3A_354 : memref<1x4xi32, #tpu.memory_space<vmem>> -> memref<4xi32, #tpu.memory_space<vmem>>
      %dma_wait3A_356 = arith.constant 0 : i32
      %dma_wait3A_357 = arith.constant 0 : i32
      %dma_wait3A_358 = tpu.memref_slice %arg2[%dma_wait3A_356, %dma_wait3A_357] : memref<4096x4096xf32, #tpu.memory_space<hbm>> -> memref<4096x4096xf32, #tpu.memory_space<hbm>>
      tpu.wait_indirect_dma semaphore(%arg12 : memref<!tpu.dma_semaphore, #tpu.memory_space<semaphore_mem>>) src(%dma_wait3A_358 : memref<4096x4096xf32, #tpu.memory_space<hbm>>) dst(%dma_wait3A_353 : memref<4x4096xf32, #tpu.memory_space<vmem>>)
      %mul3A_359 = arith.constant 4 : i32
      %mul3A_360 = arith.muli %add3A_345, %mul3A_359 : i32
      %add3A_361 = arith.addi %mul3A_2, %mul3A_360 : i32
      %dma_start3A_362 = arith.constant 1 : i32
      %dma_start3A_363 = arith.constant 0 : i32
      %dma_start3A_364 = arith.constant 0 : i32
      %dma_start3A_365 = tpu.memref_slice %arg7[%dma_start3A_362, %dma_start3A_363, %dma_start3A_364] : memref<6x4x4096xf32, #tpu.memory_space<vmem>> -> memref<1x4x4096xf32, #tpu.memory_space<vmem>>
      %dma_start3A_366 = tpu.memref_squeeze %dma_start3A_365 : memref<1x4x4096xf32, #tpu.memory_space<vmem>> -> memref<4x4096xf32, #tpu.memory_space<vmem>>
      %dma_start3A_367 = arith.constant 0 : i32
      %dma_start3A_368 = tpu.memref_slice %arg5[%add3A_361, %dma_start3A_367] : memref<16384x4096xf32, #tpu.memory_space<hbm>> -> memref<4x4096xf32, #tpu.memory_space<hbm>>
      %dma_start3A_369 = arith.constant 0 : i32
      %dma_start3A_370 = tpu.memref_slice %arg5[%add3A_361, %dma_start3A_369] : memref<16384x4096xf32, #tpu.memory_space<hbm>> -> memref<4x4096xf32, #tpu.memory_space<hbm>>
      %dma_start3A_371 = arith.constant 0 : i32
      %dma_start3A_372 = arith.constant 0 : i32
      %dma_start3A_373 = tpu.memref_slice %arg7[%dma_start3A_362, %dma_start3A_371, %dma_start3A_372] : memref<6x4x4096xf32, #tpu.memory_space<vmem>> -> memref<1x4x4096xf32, #tpu.memory_space<vmem>>
      %dma_start3A_374 = tpu.memref_squeeze %dma_start3A_373 : memref<1x4x4096xf32, #tpu.memory_space<vmem>> -> memref<4x4096xf32, #tpu.memory_space<vmem>>
      tpu.enqueue_dma source(%dma_start3A_374 : memref<4x4096xf32, #tpu.memory_space<vmem>>) target(%dma_start3A_370 : memref<4x4096xf32, #tpu.memory_space<hbm>>) target_semaphore(%arg18 : memref<!tpu.dma_semaphore, #tpu.memory_space<semaphore_mem>>)
      %ge3A_375 = arith.constant 1 : i32
      %ge3A_376 = arith.cmpi sge, %scan3A_278, %ge3A_375 : i32
      %convert_element_type3A_377 = arith.extui %ge3A_376 : i1 to i32
      %cond3A_378 = arith.constant 0 : i32
      %cond3A_379 = arith.cmpi ne, %convert_element_type3A_377, %cond3A_378 : i32
      scf.if %cond3A_379 {
        %sub3A_663 = arith.constant 2 : i32
        %sub3A_664 = arith.subi %add3A_345, %sub3A_663 : i32
        %mul3A_665 = arith.constant 4 : i32
        %mul3A_666 = arith.muli %sub3A_664, %mul3A_665 : i32
        %add3A_667 = arith.addi %mul3A_2, %mul3A_666 : i32
        %dma_wait3A_668 = arith.constant 5 : i32
        %dma_wait3A_669 = arith.constant 0 : i32
        %dma_wait3A_670 = arith.constant 0 : i32
        %dma_wait3A_671 = tpu.memref_slice %arg7[%dma_wait3A_668, %dma_wait3A_669, %dma_wait3A_670] : memref<6x4x4096xf32, #tpu.memory_space<vmem>> -> memref<1x4x4096xf32, #tpu.memory_space<vmem>>
        %dma_wait3A_672 = tpu.memref_squeeze %dma_wait3A_671 : memref<1x4x4096xf32, #tpu.memory_space<vmem>> -> memref<4x4096xf32, #tpu.memory_space<vmem>>
        %dma_wait3A_673 = arith.constant 0 : i32
        %dma_wait3A_674 = tpu.memref_slice %arg5[%add3A_667, %dma_wait3A_673] : memref<16384x4096xf32, #tpu.memory_space<hbm>> -> memref<4x4096xf32, #tpu.memory_space<hbm>>
        %dma_wait3A_675 = arith.constant 0 : i32
        %dma_wait3A_676 = tpu.memref_slice %arg5[%add3A_667, %dma_wait3A_675] : memref<16384x4096xf32, #tpu.memory_space<hbm>> -> memref<4x4096xf32, #tpu.memory_space<hbm>>
        %dma_wait3A_677 = arith.constant 0 : i32
        %dma_wait3A_678 = arith.constant 0 : i32
        %dma_wait3A_679 = tpu.memref_slice %arg7[%dma_wait3A_668, %dma_wait3A_677, %dma_wait3A_678] : memref<6x4x4096xf32, #tpu.memory_space<vmem>> -> memref<1x4x4096xf32, #tpu.memory_space<vmem>>
        %dma_wait3A_680 = tpu.memref_squeeze %dma_wait3A_679 : memref<1x4x4096xf32, #tpu.memory_space<vmem>> -> memref<4x4096xf32, #tpu.memory_space<vmem>>
        tpu.wait_dma2 semaphore(%arg22 : memref<!tpu.dma_semaphore, #tpu.memory_space<semaphore_mem>>) src(%dma_wait3A_680 : memref<4x4096xf32, #tpu.memory_space<vmem>>) dst(%dma_wait3A_676 : memref<4x4096xf32, #tpu.memory_space<hbm>>)
      } else {
      }
      %add3A_380 = arith.constant 4 : i32
      %add3A_381 = arith.addi %add3A_345, %add3A_380 : i32
      %mul3A_382 = arith.constant 4 : i32
      %mul3A_383 = arith.muli %add3A_381, %mul3A_382 : i32
      %dma_start3A_384 = arith.constant 0 : i32
      %dma_start3A_385 = arith.constant 5 : i32
      %dma_start3A_386 = arith.constant 0 : i32
      %dma_start3A_387 = arith.constant 0 : i32
      %dma_start3A_388 = tpu.memref_slice %arg7[%dma_start3A_385, %dma_start3A_386, %dma_start3A_387] : memref<6x4x4096xf32, #tpu.memory_space<vmem>> -> memref<1x4x4096xf32, #tpu.memory_space<vmem>>
      %dma_start3A_389 = tpu.memref_squeeze %dma_start3A_388 : memref<1x4x4096xf32, #tpu.memory_space<vmem>> -> memref<4x4096xf32, #tpu.memory_space<vmem>>
      %dma_start3A_390 = tpu.memref_slice %arg8[%dma_start3A_384, %mul3A_383] : memref<1x512xi32, #tpu.memory_space<vmem>> -> memref<1x4xi32, #tpu.memory_space<vmem>>
      %dma_start3A_391 = tpu.memref_squeeze %dma_start3A_390 : memref<1x4xi32, #tpu.memory_space<vmem>> -> memref<4xi32, #tpu.memory_space<vmem>>
      %dma_start3A_392 = arith.constant 0 : i32
      %dma_start3A_393 = arith.constant 0 : i32
      %dma_start3A_394 = tpu.memref_slice %arg2[%dma_start3A_392, %dma_start3A_393] : memref<4096x4096xf32, #tpu.memory_space<hbm>> -> memref<4096x4096xf32, #tpu.memory_space<hbm>>
      tpu.enqueue_indirect_dma source(%dma_start3A_394 : memref<4096x4096xf32, #tpu.memory_space<hbm>>) target(%dma_start3A_389 : memref<4x4096xf32, #tpu.memory_space<vmem>>) offsets(%dma_start3A_391 : memref<4xi32, #tpu.memory_space<vmem>>) semaphore(%arg16 : memref<!tpu.dma_semaphore, #tpu.memory_space<semaphore_mem>>)
      %mul3A_395 = arith.constant 4 : i32
      %mul3A_396 = arith.muli %add3A_345, %mul3A_395 : i32
      %add3A_397 = vector.broadcast %mul3A_396 : i32 to vector<16xi32>
      %add3A_398 = arith.addi %add3A_397, %select_n3A_103 : vector<16xi32>
      %gather3A_399 = tpu.vector_load_idx %arg9[%add3A_398] : memref<512xi32, #tpu.memory_space<vmem>>[vector<16xi32>], vector<16xi32>,
      %broadcast_in_dim3A_400 = arith.constant 1 : i32
      %broadcast_in_dim3A_401 = vector.broadcast %broadcast_in_dim3A_400 : i32 to vector<16xi32>
      %gather3A_402 = tpu.vector_load_idx %arg7[%broadcast_in_dim3A_401, %select_n3A_103, %gather3A_399] : memref<6x4x4096xf32, #tpu.memory_space<vmem>>[vector<16xi32>, vector<16xi32>, vector<16xi32>], vector<16xf32>,
      %jit3A_403 = arith.constant 0.000000e+00 : f32
      %broadcast_in_dim3A_404 = vector.broadcast %jit3A_403 : f32 to vector<16xf32>
      %select_n3A_405 = arith.select %lt3A_106, %gather3A_402, %broadcast_in_dim3A_404 : vector<16xi1>, vector<16xf32>
      %add3A_406 = arith.addf %add3A_341, %select_n3A_405 : vector<16xf32>
      %mul3A_407 = arith.constant 6 : i32
      %mul3A_408 = arith.muli %scan3A_278, %mul3A_407 : i32
      %add3A_409 = arith.constant 2 : i32
      %add3A_410 = arith.addi %mul3A_408, %add3A_409 : i32
      %mul3A_411 = arith.constant 4 : i32
      %mul3A_412 = arith.muli %add3A_410, %mul3A_411 : i32
      %dma_wait3A_413 = arith.constant 0 : i32
      %dma_wait3A_414 = arith.constant 2 : i32
      %dma_wait3A_415 = arith.constant 0 : i32
      %dma_wait3A_416 = arith.constant 0 : i32
      %dma_wait3A_417 = tpu.memref_slice %arg7[%dma_wait3A_414, %dma_wait3A_415, %dma_wait3A_416] : memref<6x4x4096xf32, #tpu.memory_space<vmem>> -> memref<1x4x4096xf32, #tpu.memory_space<vmem>>
      %dma_wait3A_418 = tpu.memref_squeeze %dma_wait3A_417 : memref<1x4x4096xf32, #tpu.memory_space<vmem>> -> memref<4x4096xf32, #tpu.memory_space<vmem>>
      %dma_wait3A_419 = tpu.memref_slice %arg8[%dma_wait3A_413, %mul3A_412] : memref<1x512xi32, #tpu.memory_space<vmem>> -> memref<1x4xi32, #tpu.memory_space<vmem>>
      %dma_wait3A_420 = tpu.memref_squeeze %dma_wait3A_419 : memref<1x4xi32, #tpu.memory_space<vmem>> -> memref<4xi32, #tpu.memory_space<vmem>>
      %dma_wait3A_421 = arith.constant 0 : i32
      %dma_wait3A_422 = arith.constant 0 : i32
      %dma_wait3A_423 = tpu.memref_slice %arg2[%dma_wait3A_421, %dma_wait3A_422] : memref<4096x4096xf32, #tpu.memory_space<hbm>> -> memref<4096x4096xf32, #tpu.memory_space<hbm>>
      tpu.wait_indirect_dma semaphore(%arg13 : memref<!tpu.dma_semaphore, #tpu.memory_space<semaphore_mem>>) src(%dma_wait3A_423 : memref<4096x4096xf32, #tpu.memory_space<hbm>>) dst(%dma_wait3A_418 : memref<4x4096xf32, #tpu.memory_space<vmem>>)
      %mul3A_424 = arith.constant 4 : i32
      %mul3A_425 = arith.muli %add3A_410, %mul3A_424 : i32
      %add3A_426 = arith.addi %mul3A_2, %mul3A_425 : i32
      %dma_start3A_427 = arith.constant 2 : i32
      %dma_start3A_428 = arith.constant 0 : i32
      %dma_start3A_429 = arith.constant 0 : i32
      %dma_start3A_430 = tpu.memref_slice %arg7[%dma_start3A_427, %dma_start3A_428, %dma_start3A_429] : memref<6x4x4096xf32, #tpu.memory_space<vmem>> -> memref<1x4x4096xf32, #tpu.memory_space<vmem>>
      %dma_start3A_431 = tpu.memref_squeeze %dma_start3A_430 : memref<1x4x4096xf32, #tpu.memory_space<vmem>> -> memref<4x4096xf32, #tpu.memory_space<vmem>>
      %dma_start3A_432 = arith.constant 0 : i32
      %dma_start3A_433 = tpu.memref_slice %arg5[%add3A_426, %dma_start3A_432] : memref<16384x4096xf32, #tpu.memory_space<hbm>> -> memref<4x4096xf32, #tpu.memory_space<hbm>>
      %dma_start3A_434 = arith.constant 0 : i32
      %dma_start3A_435 = tpu.memref_slice %arg5[%add3A_426, %dma_start3A_434] : memref<16384x4096xf32, #tpu.memory_space<hbm>> -> memref<4x4096xf32, #tpu.memory_space<hbm>>
      %dma_start3A_436 = arith.constant 0 : i32
      %dma_start3A_437 = arith.constant 0 : i32
      %dma_start3A_438 = tpu.memref_slice %arg7[%dma_start3A_427, %dma_start3A_436, %dma_start3A_437] : memref<6x4x4096xf32, #tpu.memory_space<vmem>> -> memref<1x4x4096xf32, #tpu.memory_space<vmem>>
      %dma_start3A_439 = tpu.memref_squeeze %dma_start3A_438 : memref<1x4x4096xf32, #tpu.memory_space<vmem>> -> memref<4x4096xf32, #tpu.memory_space<vmem>>
      tpu.enqueue_dma source(%dma_start3A_439 : memref<4x4096xf32, #tpu.memory_space<vmem>>) target(%dma_start3A_435 : memref<4x4096xf32, #tpu.memory_space<hbm>>) target_semaphore(%arg19 : memref<!tpu.dma_semaphore, #tpu.memory_space<semaphore_mem>>)
      %sub3A_440 = arith.constant 2 : i32
      %sub3A_441 = arith.subi %add3A_410, %sub3A_440 : i32
      %mul3A_442 = arith.constant 4 : i32
      %mul3A_443 = arith.muli %sub3A_441, %mul3A_442 : i32
      %add3A_444 = arith.addi %mul3A_2, %mul3A_443 : i32
      %dma_wait3A_445 = arith.constant 0 : i32
      %dma_wait3A_446 = arith.constant 0 : i32
      %dma_wait3A_447 = arith.constant 0 : i32
      %dma_wait3A_448 = tpu.memref_slice %arg7[%dma_wait3A_445, %dma_wait3A_446, %dma_wait3A_447] : memref<6x4x4096xf32, #tpu.memory_space<vmem>> -> memref<1x4x4096xf32, #tpu.memory_space<vmem>>
      %dma_wait3A_449 = tpu.memref_squeeze %dma_wait3A_448 : memref<1x4x4096xf32, #tpu.memory_space<vmem>> -> memref<4x4096xf32, #tpu.memory_space<vmem>>
      %dma_wait3A_450 = arith.constant 0 : i32
      %dma_wait3A_451 = tpu.memref_slice %arg5[%add3A_444, %dma_wait3A_450] : memref<16384x4096xf32, #tpu.memory_space<hbm>> -> memref<4x4096xf32, #tpu.memory_space<hbm>>
      %dma_wait3A_452 = arith.constant 0 : i32
      %dma_wait3A_453 = tpu.memref_slice %arg5[%add3A_444, %dma_wait3A_452] : memref<16384x4096xf32, #tpu.memory_space<hbm>> -> memref<4x4096xf32, #tpu.memory_space<hbm>>
      %dma_wait3A_454 = arith.constant 0 : i32
      %dma_wait3A_455 = arith.constant 0 : i32
      %dma_wait3A_456 = tpu.memref_slice %arg7[%dma_wait3A_445, %dma_wait3A_454, %dma_wait3A_455] : memref<6x4x4096xf32, #tpu.memory_space<vmem>> -> memref<1x4x4096xf32, #tpu.memory_space<vmem>>
      %dma_wait3A_457 = tpu.memref_squeeze %dma_wait3A_456 : memref<1x4x4096xf32, #tpu.memory_space<vmem>> -> memref<4x4096xf32, #tpu.memory_space<vmem>>
      tpu.wait_dma2 semaphore(%arg17 : memref<!tpu.dma_semaphore, #tpu.memory_space<semaphore_mem>>) src(%dma_wait3A_457 : memref<4x4096xf32, #tpu.memory_space<vmem>>) dst(%dma_wait3A_453 : memref<4x4096xf32, #tpu.memory_space<hbm>>)
      %add3A_458 = arith.constant 4 : i32
      %add3A_459 = arith.addi %add3A_410, %add3A_458 : i32
      %mul3A_460 = arith.constant 4 : i32
      %mul3A_461 = arith.muli %add3A_459, %mul3A_460 : i32
      %dma_start3A_462 = arith.constant 0 : i32
      %dma_start3A_463 = arith.constant 0 : i32
      %dma_start3A_464 = arith.constant 0 : i32
      %dma_start3A_465 = arith.constant 0 : i32
      %dma_start3A_466 = tpu.memref_slice %arg7[%dma_start3A_463, %dma_start3A_464, %dma_start3A_465] : memref<6x4x4096xf32, #tpu.memory_space<vmem>> -> memref<1x4x4096xf32, #tpu.memory_space<vmem>>
      %dma_start3A_467 = tpu.memref_squeeze %dma_start3A_466 : memref<1x4x4096xf32, #tpu.memory_space<vmem>> -> memref<4x4096xf32, #tpu.memory_space<vmem>>
      %dma_start3A_468 = tpu.memref_slice %arg8[%dma_start3A_462, %mul3A_461] : memref<1x512xi32, #tpu.memory_space<vmem>> -> memref<1x4xi32, #tpu.memory_space<vmem>>
      %dma_start3A_469 = tpu.memref_squeeze %dma_start3A_468 : memref<1x4xi32, #tpu.memory_space<vmem>> -> memref<4xi32, #tpu.memory_space<vmem>>
      %dma_start3A_470 = arith.constant 0 : i32
      %dma_start3A_471 = arith.constant 0 : i32
      %dma_start3A_472 = tpu.memref_slice %arg2[%dma_start3A_470, %dma_start3A_471] : memref<4096x4096xf32, #tpu.memory_space<hbm>> -> memref<4096x4096xf32, #tpu.memory_space<hbm>>
      tpu.enqueue_indirect_dma source(%dma_start3A_472 : memref<4096x4096xf32, #tpu.memory_space<hbm>>) target(%dma_start3A_467 : memref<4x4096xf32, #tpu.memory_space<vmem>>) offsets(%dma_start3A_469 : memref<4xi32, #tpu.memory_space<vmem>>) semaphore(%arg11 : memref<!tpu.dma_semaphore, #tpu.memory_space<semaphore_mem>>)
      %mul3A_473 = arith.constant 4 : i32
      %mul3A_474 = arith.muli %add3A_410, %mul3A_473 : i32
      %add3A_475 = vector.broadcast %mul3A_474 : i32 to vector<16xi32>
      %add3A_476 = arith.addi %add3A_475, %select_n3A_103 : vector<16xi32>
      %gather3A_477 = tpu.vector_load_idx %arg9[%add3A_476] : memref<512xi32, #tpu.memory_space<vmem>>[vector<16xi32>], vector<16xi32>,
      %broadcast_in_dim3A_478 = arith.constant 2 : i32
      %broadcast_in_dim3A_479 = vector.broadcast %broadcast_in_dim3A_478 : i32 to vector<16xi32>
      %gather3A_480 = tpu.vector_load_idx %arg7[%broadcast_in_dim3A_479, %select_n3A_103, %gather3A_477] : memref<6x4x4096xf32, #tpu.memory_space<vmem>>[vector<16xi32>, vector<16xi32>, vector<16xi32>], vector<16xf32>,
      %jit3A_481 = arith.constant 0.000000e+00 : f32
      %broadcast_in_dim3A_482 = vector.broadcast %jit3A_481 : f32 to vector<16xf32>
      %select_n3A_483 = arith.select %lt3A_106, %gather3A_480, %broadcast_in_dim3A_482 : vector<16xi1>, vector<16xf32>
      %add3A_484 = arith.addf %add3A_406, %select_n3A_483 : vector<16xf32>
      %mul3A_485 = arith.constant 6 : i32
      %mul3A_486 = arith.muli %scan3A_278, %mul3A_485 : i32
      %add3A_487 = arith.constant 3 : i32
      %add3A_488 = arith.addi %mul3A_486, %add3A_487 : i32
      %mul3A_489 = arith.constant 4 : i32
      %mul3A_490 = arith.muli %add3A_488, %mul3A_489 : i32
      %dma_wait3A_491 = arith.constant 0 : i32
      %dma_wait3A_492 = arith.constant 3 : i32
      %dma_wait3A_493 = arith.constant 0 : i32
      %dma_wait3A_494 = arith.constant 0 : i32
      %dma_wait3A_495 = tpu.memref_slice %arg7[%dma_wait3A_492, %dma_wait3A_493, %dma_wait3A_494] : memref<6x4x4096xf32, #tpu.memory_space<vmem>> -> memref<1x4x4096xf32, #tpu.memory_space<vmem>>
      %dma_wait3A_496 = tpu.memref_squeeze %dma_wait3A_495 : memref<1x4x4096xf32, #tpu.memory_space<vmem>> -> memref<4x4096xf32, #tpu.memory_space<vmem>>
      %dma_wait3A_497 = tpu.memref_slice %arg8[%dma_wait3A_491, %mul3A_490] : memref<1x512xi32, #tpu.memory_space<vmem>> -> memref<1x4xi32, #tpu.memory_space<vmem>>
      %dma_wait3A_498 = tpu.memref_squeeze %dma_wait3A_497 : memref<1x4xi32, #tpu.memory_space<vmem>> -> memref<4xi32, #tpu.memory_space<vmem>>
      %dma_wait3A_499 = arith.constant 0 : i32
      %dma_wait3A_500 = arith.constant 0 : i32
      %dma_wait3A_501 = tpu.memref_slice %arg2[%dma_wait3A_499, %dma_wait3A_500] : memref<4096x4096xf32, #tpu.memory_space<hbm>> -> memref<4096x4096xf32, #tpu.memory_space<hbm>>
      tpu.wait_indirect_dma semaphore(%arg14 : memref<!tpu.dma_semaphore, #tpu.memory_space<semaphore_mem>>) src(%dma_wait3A_501 : memref<4096x4096xf32, #tpu.memory_space<hbm>>) dst(%dma_wait3A_496 : memref<4x4096xf32, #tpu.memory_space<vmem>>)
      %mul3A_502 = arith.constant 4 : i32
      %mul3A_503 = arith.muli %add3A_488, %mul3A_502 : i32
      %add3A_504 = arith.addi %mul3A_2, %mul3A_503 : i32
      %dma_start3A_505 = arith.constant 3 : i32
      %dma_start3A_506 = arith.constant 0 : i32
      %dma_start3A_507 = arith.constant 0 : i32
      %dma_start3A_508 = tpu.memref_slice %arg7[%dma_start3A_505, %dma_start3A_506, %dma_start3A_507] : memref<6x4x4096xf32, #tpu.memory_space<vmem>> -> memref<1x4x4096xf32, #tpu.memory_space<vmem>>
      %dma_start3A_509 = tpu.memref_squeeze %dma_start3A_508 : memref<1x4x4096xf32, #tpu.memory_space<vmem>> -> memref<4x4096xf32, #tpu.memory_space<vmem>>
      %dma_start3A_510 = arith.constant 0 : i32
      %dma_start3A_511 = tpu.memref_slice %arg5[%add3A_504, %dma_start3A_510] : memref<16384x4096xf32, #tpu.memory_space<hbm>> -> memref<4x4096xf32, #tpu.memory_space<hbm>>
      %dma_start3A_512 = arith.constant 0 : i32
      %dma_start3A_513 = tpu.memref_slice %arg5[%add3A_504, %dma_start3A_512] : memref<16384x4096xf32, #tpu.memory_space<hbm>> -> memref<4x4096xf32, #tpu.memory_space<hbm>>
      %dma_start3A_514 = arith.constant 0 : i32
      %dma_start3A_515 = arith.constant 0 : i32
      %dma_start3A_516 = tpu.memref_slice %arg7[%dma_start3A_505, %dma_start3A_514, %dma_start3A_515] : memref<6x4x4096xf32, #tpu.memory_space<vmem>> -> memref<1x4x4096xf32, #tpu.memory_space<vmem>>
      %dma_start3A_517 = tpu.memref_squeeze %dma_start3A_516 : memref<1x4x4096xf32, #tpu.memory_space<vmem>> -> memref<4x4096xf32, #tpu.memory_space<vmem>>
      tpu.enqueue_dma source(%dma_start3A_517 : memref<4x4096xf32, #tpu.memory_space<vmem>>) target(%dma_start3A_513 : memref<4x4096xf32, #tpu.memory_space<hbm>>) target_semaphore(%arg20 : memref<!tpu.dma_semaphore, #tpu.memory_space<semaphore_mem>>)
      %sub3A_518 = arith.constant 2 : i32
      %sub3A_519 = arith.subi %add3A_488, %sub3A_518 : i32
      %mul3A_520 = arith.constant 4 : i32
      %mul3A_521 = arith.muli %sub3A_519, %mul3A_520 : i32
      %add3A_522 = arith.addi %mul3A_2, %mul3A_521 : i32
      %dma_wait3A_523 = arith.constant 1 : i32
      %dma_wait3A_524 = arith.constant 0 : i32
      %dma_wait3A_525 = arith.constant 0 : i32
      %dma_wait3A_526 = tpu.memref_slice %arg7[%dma_wait3A_523, %dma_wait3A_524, %dma_wait3A_525] : memref<6x4x4096xf32, #tpu.memory_space<vmem>> -> memref<1x4x4096xf32, #tpu.memory_space<vmem>>
      %dma_wait3A_527 = tpu.memref_squeeze %dma_wait3A_526 : memref<1x4x4096xf32, #tpu.memory_space<vmem>> -> memref<4x4096xf32, #tpu.memory_space<vmem>>
      %dma_wait3A_528 = arith.constant 0 : i32
      %dma_wait3A_529 = tpu.memref_slice %arg5[%add3A_522, %dma_wait3A_528] : memref<16384x4096xf32, #tpu.memory_space<hbm>> -> memref<4x4096xf32, #tpu.memory_space<hbm>>
      %dma_wait3A_530 = arith.constant 0 : i32
      %dma_wait3A_531 = tpu.memref_slice %arg5[%add3A_522, %dma_wait3A_530] : memref<16384x4096xf32, #tpu.memory_space<hbm>> -> memref<4x4096xf32, #tpu.memory_space<hbm>>
      %dma_wait3A_532 = arith.constant 0 : i32
      %dma_wait3A_533 = arith.constant 0 : i32
      %dma_wait3A_534 = tpu.memref_slice %arg7[%dma_wait3A_523, %dma_wait3A_532, %dma_wait3A_533] : memref<6x4x4096xf32, #tpu.memory_space<vmem>> -> memref<1x4x4096xf32, #tpu.memory_space<vmem>>
      %dma_wait3A_535 = tpu.memref_squeeze %dma_wait3A_534 : memref<1x4x4096xf32, #tpu.memory_space<vmem>> -> memref<4x4096xf32, #tpu.memory_space<vmem>>
      tpu.wait_dma2 semaphore(%arg18 : memref<!tpu.dma_semaphore, #tpu.memory_space<semaphore_mem>>) src(%dma_wait3A_535 : memref<4x4096xf32, #tpu.memory_space<vmem>>) dst(%dma_wait3A_531 : memref<4x4096xf32, #tpu.memory_space<hbm>>)
      %add3A_536 = arith.constant 4 : i32
      %add3A_537 = arith.addi %add3A_488, %add3A_536 : i32
      %mul3A_538 = arith.constant 4 : i32
      %mul3A_539 = arith.muli %add3A_537, %mul3A_538 : i32
      %dma_start3A_540 = arith.constant 0 : i32
      %dma_start3A_541 = arith.constant 1 : i32
      %dma_start3A_542 = arith.constant 0 : i32
      %dma_start3A_543 = arith.constant 0 : i32
      %dma_start3A_544 = tpu.memref_slice %arg7[%dma_start3A_541, %dma_start3A_542, %dma_start3A_543] : memref<6x4x4096xf32, #tpu.memory_space<vmem>> -> memref<1x4x4096xf32, #tpu.memory_space<vmem>>
      %dma_start3A_545 = tpu.memref_squeeze %dma_start3A_544 : memref<1x4x4096xf32, #tpu.memory_space<vmem>> -> memref<4x4096xf32, #tpu.memory_space<vmem>>
      %dma_start3A_546 = tpu.memref_slice %arg8[%dma_start3A_540, %mul3A_539] : memref<1x512xi32, #tpu.memory_space<vmem>> -> memref<1x4xi32, #tpu.memory_space<vmem>>
      %dma_start3A_547 = tpu.memref_squeeze %dma_start3A_546 : memref<1x4xi32, #tpu.memory_space<vmem>> -> memref<4xi32, #tpu.memory_space<vmem>>
      %dma_start3A_548 = arith.constant 0 : i32
      %dma_start3A_549 = arith.constant 0 : i32
      %dma_start3A_550 = tpu.memref_slice %arg2[%dma_start3A_548, %dma_start3A_549] : memref<4096x4096xf32, #tpu.memory_space<hbm>> -> memref<4096x4096xf32, #tpu.memory_space<hbm>>
      tpu.enqueue_indirect_dma source(%dma_start3A_550 : memref<4096x4096xf32, #tpu.memory_space<hbm>>) target(%dma_start3A_545 : memref<4x4096xf32, #tpu.memory_space<vmem>>) offsets(%dma_start3A_547 : memref<4xi32, #tpu.memory_space<vmem>>) semaphore(%arg12 : memref<!tpu.dma_semaphore, #tpu.memory_space<semaphore_mem>>)
      %mul3A_551 = arith.constant 4 : i32
      %mul3A_552 = arith.muli %add3A_488, %mul3A_551 : i32
      %add3A_553 = vector.broadcast %mul3A_552 : i32 to vector<16xi32>
      %add3A_554 = arith.addi %add3A_553, %select_n3A_103 : vector<16xi32>
      %gather3A_555 = tpu.vector_load_idx %arg9[%add3A_554] : memref<512xi32, #tpu.memory_space<vmem>>[vector<16xi32>], vector<16xi32>,
      %broadcast_in_dim3A_556 = arith.constant 3 : i32
      %broadcast_in_dim3A_557 = vector.broadcast %broadcast_in_dim3A_556 : i32 to vector<16xi32>
      %gather3A_558 = tpu.vector_load_idx %arg7[%broadcast_in_dim3A_557, %select_n3A_103, %gather3A_555] : memref<6x4x4096xf32, #tpu.memory_space<vmem>>[vector<16xi32>, vector<16xi32>, vector<16xi32>], vector<16xf32>,
      %jit3A_559 = arith.constant 0.000000e+00 : f32
      %broadcast_in_dim3A_560 = vector.broadcast %jit3A_559 : f32 to vector<16xf32>
      %select_n3A_561 = arith.select %lt3A_106, %gather3A_558, %broadcast_in_dim3A_560 : vector<16xi1>, vector<16xf32>
      %add3A_562 = arith.addf %add3A_484, %select_n3A_561 : vector<16xf32>
      %mul3A_563 = arith.constant 6 : i32
      %mul3A_564 = arith.muli %scan3A_278, %mul3A_563 : i32
      %add3A_565 = arith.constant 4 : i32
      %add3A_566 = arith.addi %mul3A_564, %add3A_565 : i32
      %mul3A_567 = arith.constant 4 : i32
      %mul3A_568 = arith.muli %add3A_566, %mul3A_567 : i32
      %dma_wait3A_569 = arith.constant 0 : i32
      %dma_wait3A_570 = arith.constant 4 : i32
      %dma_wait3A_571 = arith.constant 0 : i32
      %dma_wait3A_572 = arith.constant 0 : i32
      %dma_wait3A_573 = tpu.memref_slice %arg7[%dma_wait3A_570, %dma_wait3A_571, %dma_wait3A_572] : memref<6x4x4096xf32, #tpu.memory_space<vmem>> -> memref<1x4x4096xf32, #tpu.memory_space<vmem>>
      %dma_wait3A_574 = tpu.memref_squeeze %dma_wait3A_573 : memref<1x4x4096xf32, #tpu.memory_space<vmem>> -> memref<4x4096xf32, #tpu.memory_space<vmem>>
      %dma_wait3A_575 = tpu.memref_slice %arg8[%dma_wait3A_569, %mul3A_568] : memref<1x512xi32, #tpu.memory_space<vmem>> -> memref<1x4xi32, #tpu.memory_space<vmem>>
      %dma_wait3A_576 = tpu.memref_squeeze %dma_wait3A_575 : memref<1x4xi32, #tpu.memory_space<vmem>> -> memref<4xi32, #tpu.memory_space<vmem>>
      %dma_wait3A_577 = arith.constant 0 : i32
      %dma_wait3A_578 = arith.constant 0 : i32
      %dma_wait3A_579 = tpu.memref_slice %arg2[%dma_wait3A_577, %dma_wait3A_578] : memref<4096x4096xf32, #tpu.memory_space<hbm>> -> memref<4096x4096xf32, #tpu.memory_space<hbm>>
      tpu.wait_indirect_dma semaphore(%arg15 : memref<!tpu.dma_semaphore, #tpu.memory_space<semaphore_mem>>) src(%dma_wait3A_579 : memref<4096x4096xf32, #tpu.memory_space<hbm>>) dst(%dma_wait3A_574 : memref<4x4096xf32, #tpu.memory_space<vmem>>)
      %mul3A_580 = arith.constant 4 : i32
      %mul3A_581 = arith.muli %add3A_566, %mul3A_580 : i32
      %add3A_582 = arith.addi %mul3A_2, %mul3A_581 : i32
      %dma_start3A_583 = arith.constant 4 : i32
      %dma_start3A_584 = arith.constant 0 : i32
      %dma_start3A_585 = arith.constant 0 : i32
      %dma_start3A_586 = tpu.memref_slice %arg7[%dma_start3A_583, %dma_start3A_584, %dma_start3A_585] : memref<6x4x4096xf32, #tpu.memory_space<vmem>> -> memref<1x4x4096xf32, #tpu.memory_space<vmem>>
      %dma_start3A_587 = tpu.memref_squeeze %dma_start3A_586 : memref<1x4x4096xf32, #tpu.memory_space<vmem>> -> memref<4x4096xf32, #tpu.memory_space<vmem>>
      %dma_start3A_588 = arith.constant 0 : i32
      %dma_start3A_589 = tpu.memref_slice %arg5[%add3A_582, %dma_start3A_588] : memref<16384x4096xf32, #tpu.memory_space<hbm>> -> memref<4x4096xf32, #tpu.memory_space<hbm>>
      %dma_start3A_590 = arith.constant 0 : i32
      %dma_start3A_591 = tpu.memref_slice %arg5[%add3A_582, %dma_start3A_590] : memref<16384x4096xf32, #tpu.memory_space<hbm>> -> memref<4x4096xf32, #tpu.memory_space<hbm>>
      %dma_start3A_592 = arith.constant 0 : i32
      %dma_start3A_593 = arith.constant 0 : i32
      %dma_start3A_594 = tpu.memref_slice %arg7[%dma_start3A_583, %dma_start3A_592, %dma_start3A_593] : memref<6x4x4096xf32, #tpu.memory_space<vmem>> -> memref<1x4x4096xf32, #tpu.memory_space<vmem>>
      %dma_start3A_595 = tpu.memref_squeeze %dma_start3A_594 : memref<1x4x4096xf32, #tpu.memory_space<vmem>> -> memref<4x4096xf32, #tpu.memory_space<vmem>>
      tpu.enqueue_dma source(%dma_start3A_595 : memref<4x4096xf32, #tpu.memory_space<vmem>>) target(%dma_start3A_591 : memref<4x4096xf32, #tpu.memory_space<hbm>>) target_semaphore(%arg21 : memref<!tpu.dma_semaphore, #tpu.memory_space<semaphore_mem>>)
      %lt3A_596 = arith.constant 20 : i32
      %lt3A_597 = arith.cmpi slt, %scan3A_278, %lt3A_596 : i32
      %convert_element_type3A_598 = arith.extui %lt3A_597 : i1 to i32
      %cond3A_599 = arith.constant 0 : i32
      %cond3A_600 = arith.cmpi ne, %convert_element_type3A_598, %cond3A_599 : i32
      scf.if %cond3A_600 {
        %sub3A_663 = arith.constant 2 : i32
        %sub3A_664 = arith.subi %add3A_566, %sub3A_663 : i32
        %mul3A_665 = arith.constant 4 : i32
        %mul3A_666 = arith.muli %sub3A_664, %mul3A_665 : i32
        %add3A_667 = arith.addi %mul3A_2, %mul3A_666 : i32
        %dma_wait3A_668 = arith.constant 2 : i32
        %dma_wait3A_669 = arith.constant 0 : i32
        %dma_wait3A_670 = arith.constant 0 : i32
        %dma_wait3A_671 = tpu.memref_slice %arg7[%dma_wait3A_668, %dma_wait3A_669, %dma_wait3A_670] : memref<6x4x4096xf32, #tpu.memory_space<vmem>> -> memref<1x4x4096xf32, #tpu.memory_space<vmem>>
        %dma_wait3A_672 = tpu.memref_squeeze %dma_wait3A_671 : memref<1x4x4096xf32, #tpu.memory_space<vmem>> -> memref<4x4096xf32, #tpu.memory_space<vmem>>
        %dma_wait3A_673 = arith.constant 0 : i32
        %dma_wait3A_674 = tpu.memref_slice %arg5[%add3A_667, %dma_wait3A_673] : memref<16384x4096xf32, #tpu.memory_space<hbm>> -> memref<4x4096xf32, #tpu.memory_space<hbm>>
        %dma_wait3A_675 = arith.constant 0 : i32
        %dma_wait3A_676 = tpu.memref_slice %arg5[%add3A_667, %dma_wait3A_675] : memref<16384x4096xf32, #tpu.memory_space<hbm>> -> memref<4x4096xf32, #tpu.memory_space<hbm>>
        %dma_wait3A_677 = arith.constant 0 : i32
        %dma_wait3A_678 = arith.constant 0 : i32
        %dma_wait3A_679 = tpu.memref_slice %arg7[%dma_wait3A_668, %dma_wait3A_677, %dma_wait3A_678] : memref<6x4x4096xf32, #tpu.memory_space<vmem>> -> memref<1x4x4096xf32, #tpu.memory_space<vmem>>
        %dma_wait3A_680 = tpu.memref_squeeze %dma_wait3A_679 : memref<1x4x4096xf32, #tpu.memory_space<vmem>> -> memref<4x4096xf32, #tpu.memory_space<vmem>>
        tpu.wait_dma2 semaphore(%arg19 : memref<!tpu.dma_semaphore, #tpu.memory_space<semaphore_mem>>) src(%dma_wait3A_680 : memref<4x4096xf32, #tpu.memory_space<vmem>>) dst(%dma_wait3A_676 : memref<4x4096xf32, #tpu.memory_space<hbm>>)
        %add3A_681 = arith.constant 4 : i32
        %add3A_682 = arith.addi %add3A_566, %add3A_681 : i32
        %mul3A_683 = arith.constant 4 : i32
        %mul3A_684 = arith.muli %add3A_682, %mul3A_683 : i32
        %dma_start3A_685 = arith.constant 0 : i32
        %dma_start3A_686 = arith.constant 2 : i32
        %dma_start3A_687 = arith.constant 0 : i32
        %dma_start3A_688 = arith.constant 0 : i32
        %dma_start3A_689 = tpu.memref_slice %arg7[%dma_start3A_686, %dma_start3A_687, %dma_start3A_688] : memref<6x4x4096xf32, #tpu.memory_space<vmem>> -> memref<1x4x4096xf32, #tpu.memory_space<vmem>>
        %dma_start3A_690 = tpu.memref_squeeze %dma_start3A_689 : memref<1x4x4096xf32, #tpu.memory_space<vmem>> -> memref<4x4096xf32, #tpu.memory_space<vmem>>
        %dma_start3A_691 = tpu.memref_slice %arg8[%dma_start3A_685, %mul3A_684] : memref<1x512xi32, #tpu.memory_space<vmem>> -> memref<1x4xi32, #tpu.memory_space<vmem>>
        %dma_start3A_692 = tpu.memref_squeeze %dma_start3A_691 : memref<1x4xi32, #tpu.memory_space<vmem>> -> memref<4xi32, #tpu.memory_space<vmem>>
        %dma_start3A_693 = arith.constant 0 : i32
        %dma_start3A_694 = arith.constant 0 : i32
        %dma_start3A_695 = tpu.memref_slice %arg2[%dma_start3A_693, %dma_start3A_694] : memref<4096x4096xf32, #tpu.memory_space<hbm>> -> memref<4096x4096xf32, #tpu.memory_space<hbm>>
        tpu.enqueue_indirect_dma source(%dma_start3A_695 : memref<4096x4096xf32, #tpu.memory_space<hbm>>) target(%dma_start3A_690 : memref<4x4096xf32, #tpu.memory_space<vmem>>) offsets(%dma_start3A_692 : memref<4xi32, #tpu.memory_space<vmem>>) semaphore(%arg13 : memref<!tpu.dma_semaphore, #tpu.memory_space<semaphore_mem>>)
      } else {
      }
      %mul3A_601 = arith.constant 4 : i32
      %mul3A_602 = arith.muli %add3A_566, %mul3A_601 : i32
      %add3A_603 = vector.broadcast %mul3A_602 : i32 to vector<16xi32>
      %add3A_604 = arith.addi %add3A_603, %select_n3A_103 : vector<16xi32>
      %gather3A_605 = tpu.vector_load_idx %arg9[%add3A_604] : memref<512xi32, #tpu.memory_space<vmem>>[vector<16xi32>], vector<16xi32>,
      %broadcast_in_dim3A_606 = arith.constant 4 : i32
      %broadcast_in_dim3A_607 = vector.broadcast %broadcast_in_dim3A_606 : i32 to vector<16xi32>
      %gather3A_608 = tpu.vector_load_idx %arg7[%broadcast_in_dim3A_607, %select_n3A_103, %gather3A_605] : memref<6x4x4096xf32, #tpu.memory_space<vmem>>[vector<16xi32>, vector<16xi32>, vector<16xi32>], vector<16xf32>,
      %jit3A_609 = arith.constant 0.000000e+00 : f32
      %broadcast_in_dim3A_610 = vector.broadcast %jit3A_609 : f32 to vector<16xf32>
      %select_n3A_611 = arith.select %lt3A_106, %gather3A_608, %broadcast_in_dim3A_610 : vector<16xi1>, vector<16xf32>
      %add3A_612 = arith.addf %add3A_562, %select_n3A_611 : vector<16xf32>
      %mul3A_613 = arith.constant 6 : i32
      %mul3A_614 = arith.muli %scan3A_278, %mul3A_613 : i32
      %add3A_615 = arith.constant 5 : i32
      %add3A_616 = arith.addi %mul3A_614, %add3A_615 : i32
      %mul3A_617 = arith.constant 4 : i32
      %mul3A_618 = arith.muli %add3A_616, %mul3A_617 : i32
      %dma_wait3A_619 = arith.constant 0 : i32
      %dma_wait3A_620 = arith.constant 5 : i32
      %dma_wait3A_621 = arith.constant 0 : i32
      %dma_wait3A_622 = arith.constant 0 : i32
      %dma_wait3A_623 = tpu.memref_slice %arg7[%dma_wait3A_620, %dma_wait3A_621, %dma_wait3A_622] : memref<6x4x4096xf32, #tpu.memory_space<vmem>> -> memref<1x4x4096xf32, #tpu.memory_space<vmem>>
      %dma_wait3A_624 = tpu.memref_squeeze %dma_wait3A_623 : memref<1x4x4096xf32, #tpu.memory_space<vmem>> -> memref<4x4096xf32, #tpu.memory_space<vmem>>
      %dma_wait3A_625 = tpu.memref_slice %arg8[%dma_wait3A_619, %mul3A_618] : memref<1x512xi32, #tpu.memory_space<vmem>> -> memref<1x4xi32, #tpu.memory_space<vmem>>
      %dma_wait3A_626 = tpu.memref_squeeze %dma_wait3A_625 : memref<1x4xi32, #tpu.memory_space<vmem>> -> memref<4xi32, #tpu.memory_space<vmem>>
      %dma_wait3A_627 = arith.constant 0 : i32
      %dma_wait3A_628 = arith.constant 0 : i32
      %dma_wait3A_629 = tpu.memref_slice %arg2[%dma_wait3A_627, %dma_wait3A_628] : memref<4096x4096xf32, #tpu.memory_space<hbm>> -> memref<4096x4096xf32, #tpu.memory_space<hbm>>
      tpu.wait_indirect_dma semaphore(%arg16 : memref<!tpu.dma_semaphore, #tpu.memory_space<semaphore_mem>>) src(%dma_wait3A_629 : memref<4096x4096xf32, #tpu.memory_space<hbm>>) dst(%dma_wait3A_624 : memref<4x4096xf32, #tpu.memory_space<vmem>>)
      %mul3A_630 = arith.constant 4 : i32
      %mul3A_631 = arith.muli %add3A_616, %mul3A_630 : i32
      %add3A_632 = arith.addi %mul3A_2, %mul3A_631 : i32
      %dma_start3A_633 = arith.constant 5 : i32
      %dma_start3A_634 = arith.constant 0 : i32
      %dma_start3A_635 = arith.constant 0 : i32
      %dma_start3A_636 = tpu.memref_slice %arg7[%dma_start3A_633, %dma_start3A_634, %dma_start3A_635] : memref<6x4x4096xf32, #tpu.memory_space<vmem>> -> memref<1x4x4096xf32, #tpu.memory_space<vmem>>
      %dma_start3A_637 = tpu.memref_squeeze %dma_start3A_636 : memref<1x4x4096xf32, #tpu.memory_space<vmem>> -> memref<4x4096xf32, #tpu.memory_space<vmem>>
      %dma_start3A_638 = arith.constant 0 : i32
      %dma_start3A_639 = tpu.memref_slice %arg5[%add3A_632, %dma_start3A_638] : memref<16384x4096xf32, #tpu.memory_space<hbm>> -> memref<4x4096xf32, #tpu.memory_space<hbm>>
      %dma_start3A_640 = arith.constant 0 : i32
      %dma_start3A_641 = tpu.memref_slice %arg5[%add3A_632, %dma_start3A_640] : memref<16384x4096xf32, #tpu.memory_space<hbm>> -> memref<4x4096xf32, #tpu.memory_space<hbm>>
      %dma_start3A_642 = arith.constant 0 : i32
      %dma_start3A_643 = arith.constant 0 : i32
      %dma_start3A_644 = tpu.memref_slice %arg7[%dma_start3A_633, %dma_start3A_642, %dma_start3A_643] : memref<6x4x4096xf32, #tpu.memory_space<vmem>> -> memref<1x4x4096xf32, #tpu.memory_space<vmem>>
      %dma_start3A_645 = tpu.memref_squeeze %dma_start3A_644 : memref<1x4x4096xf32, #tpu.memory_space<vmem>> -> memref<4x4096xf32, #tpu.memory_space<vmem>>
      tpu.enqueue_dma source(%dma_start3A_645 : memref<4x4096xf32, #tpu.memory_space<vmem>>) target(%dma_start3A_641 : memref<4x4096xf32, #tpu.memory_space<hbm>>) target_semaphore(%arg22 : memref<!tpu.dma_semaphore, #tpu.memory_space<semaphore_mem>>)
      %lt3A_646 = arith.constant 20 : i32
      %lt3A_647 = arith.cmpi slt, %scan3A_278, %lt3A_646 : i32
      %convert_element_type3A_648 = arith.extui %lt3A_647 : i1 to i32
      %cond3A_649 = arith.constant 0 : i32
      %cond3A_650 = arith.cmpi ne, %convert_element_type3A_648, %cond3A_649 : i32
      scf.if %cond3A_650 {
        %sub3A_663 = arith.constant 2 : i32
        %sub3A_664 = arith.subi %add3A_616, %sub3A_663 : i32
        %mul3A_665 = arith.constant 4 : i32
        %mul3A_666 = arith.muli %sub3A_664, %mul3A_665 : i32
        %add3A_667 = arith.addi %mul3A_2, %mul3A_666 : i32
        %dma_wait3A_668 = arith.constant 3 : i32
        %dma_wait3A_669 = arith.constant 0 : i32
        %dma_wait3A_670 = arith.constant 0 : i32
        %dma_wait3A_671 = tpu.memref_slice %arg7[%dma_wait3A_668, %dma_wait3A_669, %dma_wait3A_670] : memref<6x4x4096xf32, #tpu.memory_space<vmem>> -> memref<1x4x4096xf32, #tpu.memory_space<vmem>>
        %dma_wait3A_672 = tpu.memref_squeeze %dma_wait3A_671 : memref<1x4x4096xf32, #tpu.memory_space<vmem>> -> memref<4x4096xf32, #tpu.memory_space<vmem>>
        %dma_wait3A_673 = arith.constant 0 : i32
        %dma_wait3A_674 = tpu.memref_slice %arg5[%add3A_667, %dma_wait3A_673] : memref<16384x4096xf32, #tpu.memory_space<hbm>> -> memref<4x4096xf32, #tpu.memory_space<hbm>>
        %dma_wait3A_675 = arith.constant 0 : i32
        %dma_wait3A_676 = tpu.memref_slice %arg5[%add3A_667, %dma_wait3A_675] : memref<16384x4096xf32, #tpu.memory_space<hbm>> -> memref<4x4096xf32, #tpu.memory_space<hbm>>
        %dma_wait3A_677 = arith.constant 0 : i32
        %dma_wait3A_678 = arith.constant 0 : i32
        %dma_wait3A_679 = tpu.memref_slice %arg7[%dma_wait3A_668, %dma_wait3A_677, %dma_wait3A_678] : memref<6x4x4096xf32, #tpu.memory_space<vmem>> -> memref<1x4x4096xf32, #tpu.memory_space<vmem>>
        %dma_wait3A_680 = tpu.memref_squeeze %dma_wait3A_679 : memref<1x4x4096xf32, #tpu.memory_space<vmem>> -> memref<4x4096xf32, #tpu.memory_space<vmem>>
        tpu.wait_dma2 semaphore(%arg20 : memref<!tpu.dma_semaphore, #tpu.memory_space<semaphore_mem>>) src(%dma_wait3A_680 : memref<4x4096xf32, #tpu.memory_space<vmem>>) dst(%dma_wait3A_676 : memref<4x4096xf32, #tpu.memory_space<hbm>>)
        %add3A_681 = arith.constant 4 : i32
        %add3A_682 = arith.addi %add3A_616, %add3A_681 : i32
        %mul3A_683 = arith.constant 4 : i32
        %mul3A_684 = arith.muli %add3A_682, %mul3A_683 : i32
        %dma_start3A_685 = arith.constant 0 : i32
        %dma_start3A_686 = arith.constant 3 : i32
        %dma_start3A_687 = arith.constant 0 : i32
        %dma_start3A_688 = arith.constant 0 : i32
        %dma_start3A_689 = tpu.memref_slice %arg7[%dma_start3A_686, %dma_start3A_687, %dma_start3A_688] : memref<6x4x4096xf32, #tpu.memory_space<vmem>> -> memref<1x4x4096xf32, #tpu.memory_space<vmem>>
        %dma_start3A_690 = tpu.memref_squeeze %dma_start3A_689 : memref<1x4x4096xf32, #tpu.memory_space<vmem>> -> memref<4x4096xf32, #tpu.memory_space<vmem>>
        %dma_start3A_691 = tpu.memref_slice %arg8[%dma_start3A_685, %mul3A_684] : memref<1x512xi32, #tpu.memory_space<vmem>> -> memref<1x4xi32, #tpu.memory_space<vmem>>
        %dma_start3A_692 = tpu.memref_squeeze %dma_start3A_691 : memref<1x4xi32, #tpu.memory_space<vmem>> -> memref<4xi32, #tpu.memory_space<vmem>>
        %dma_start3A_693 = arith.constant 0 : i32
        %dma_start3A_694 = arith.constant 0 : i32
        %dma_start3A_695 = tpu.memref_slice %arg2[%dma_start3A_693, %dma_start3A_694] : memref<4096x4096xf32, #tpu.memory_space<hbm>> -> memref<4096x4096xf32, #tpu.memory_space<hbm>>
        tpu.enqueue_indirect_dma source(%dma_start3A_695 : memref<4096x4096xf32, #tpu.memory_space<hbm>>) target(%dma_start3A_690 : memref<4x4096xf32, #tpu.memory_space<vmem>>) offsets(%dma_start3A_692 : memref<4xi32, #tpu.memory_space<vmem>>) semaphore(%arg14 : memref<!tpu.dma_semaphore, #tpu.memory_space<semaphore_mem>>)
      } else {
      }
      %mul3A_651 = arith.constant 4 : i32
      %mul3A_652 = arith.muli %add3A_616, %mul3A_651 : i32
      %add3A_653 = vector.broadcast %mul3A_652 : i32 to vector<16xi32>
      %add3A_654 = arith.addi %add3A_653, %select_n3A_103 : vector<16xi32>
      %gather3A_655 = tpu.vector_load_idx %arg9[%add3A_654] : memref<512xi32, #tpu.memory_space<vmem>>[vector<16xi32>], vector<16xi32>,
      %broadcast_in_dim3A_656 = arith.constant 5 : i32
      %broadcast_in_dim3A_657 = vector.broadcast %broadcast_in_dim3A_656 : i32 to vector<16xi32>
      %gather3A_658 = tpu.vector_load_idx %arg7[%broadcast_in_dim3A_657, %select_n3A_103, %gather3A_655] : memref<6x4x4096xf32, #tpu.memory_space<vmem>>[vector<16xi32>, vector<16xi32>, vector<16xi32>], vector<16xf32>,
      %jit3A_659 = arith.constant 0.000000e+00 : f32
      %broadcast_in_dim3A_660 = vector.broadcast %jit3A_659 : f32 to vector<16xf32>
      %select_n3A_661 = arith.select %lt3A_106, %gather3A_658, %broadcast_in_dim3A_660 : vector<16xi1>, vector<16xf32>
      %add3A_662 = arith.addf %add3A_612, %select_n3A_661 : vector<16xf32>
      scf.yield %add3A_662 : vector<16xf32>
    }
    %scan3A_112 = arith.constant 21 : i32
    %dma_wait3A = arith.constant 0 : i32
    %dma_wait3A_113 = arith.constant 0 : i32
    %dma_wait3A_114 = arith.constant 0 : i32
    %dma_wait3A_115 = arith.constant 0 : i32
    %dma_wait3A_116 = tpu.memref_slice %arg7[%dma_wait3A_113, %dma_wait3A_114, %dma_wait3A_115] : memref<6x4x4096xf32, #tpu.memory_space<vmem>> -> memref<1x4x4096xf32, #tpu.memory_space<vmem>>
    %dma_wait3A_117 = tpu.memref_squeeze %dma_wait3A_116 : memref<1x4x4096xf32, #tpu.memory_space<vmem>> -> memref<4x4096xf32, #tpu.memory_space<vmem>>
    %dma_wait3A_118 = arith.constant 504 : i32
    %dma_wait3A_119 = tpu.memref_slice %arg8[%dma_wait3A, %dma_wait3A_118] : memref<1x512xi32, #tpu.memory_space<vmem>> -> memref<1x4xi32, #tpu.memory_space<vmem>>
    %dma_wait3A_120 = tpu.memref_squeeze %dma_wait3A_119 : memref<1x4xi32, #tpu.memory_space<vmem>> -> memref<4xi32, #tpu.memory_space<vmem>>
    %dma_wait3A_121 = arith.constant 0 : i32
    %dma_wait3A_122 = arith.constant 0 : i32
    %dma_wait3A_123 = tpu.memref_slice %arg2[%dma_wait3A_121, %dma_wait3A_122] : memref<4096x4096xf32, #tpu.memory_space<hbm>> -> memref<4096x4096xf32, #tpu.memory_space<hbm>>
    tpu.wait_indirect_dma semaphore(%arg11 : memref<!tpu.dma_semaphore, #tpu.memory_space<semaphore_mem>>) src(%dma_wait3A_123 : memref<4096x4096xf32, #tpu.memory_space<hbm>>) dst(%dma_wait3A_117 : memref<4x4096xf32, #tpu.memory_space<vmem>>)
    %add3A_124 = arith.constant 504 : i32
    %add3A_125 = arith.addi %mul3A_2, %add3A_124 : i32
    %dma_start3A_126 = arith.constant 0 : i32
    %dma_start3A_127 = arith.constant 0 : i32
    %dma_start3A_128 = arith.constant 0 : i32
    %dma_start3A_129 = tpu.memref_slice %arg7[%dma_start3A_126, %dma_start3A_127, %dma_start3A_128] : memref<6x4x4096xf32, #tpu.memory_space<vmem>> -> memref<1x4x4096xf32, #tpu.memory_space<vmem>>
    %dma_start3A_130 = tpu.memref_squeeze %dma_start3A_129 : memref<1x4x4096xf32, #tpu.memory_space<vmem>> -> memref<4x4096xf32, #tpu.memory_space<vmem>>
    %dma_start3A_131 = arith.constant 0 : i32
    %dma_start3A_132 = tpu.memref_slice %arg5[%add3A_125, %dma_start3A_131] : memref<16384x4096xf32, #tpu.memory_space<hbm>> -> memref<4x4096xf32, #tpu.memory_space<hbm>>
    %dma_start3A_133 = arith.constant 0 : i32
    %dma_start3A_134 = tpu.memref_slice %arg5[%add3A_125, %dma_start3A_133] : memref<16384x4096xf32, #tpu.memory_space<hbm>> -> memref<4x4096xf32, #tpu.memory_space<hbm>>
    %dma_start3A_135 = arith.constant 0 : i32
    %dma_start3A_136 = arith.constant 0 : i32
    %dma_start3A_137 = tpu.memref_slice %arg7[%dma_start3A_126, %dma_start3A_135, %dma_start3A_136] : memref<6x4x4096xf32, #tpu.memory_space<vmem>> -> memref<1x4x4096xf32, #tpu.memory_space<vmem>>
    %dma_start3A_138 = tpu.memref_squeeze %dma_start3A_137 : memref<1x4x4096xf32, #tpu.memory_space<vmem>> -> memref<4x4096xf32, #tpu.memory_space<vmem>>
    tpu.enqueue_dma source(%dma_start3A_138 : memref<4x4096xf32, #tpu.memory_space<vmem>>) target(%dma_start3A_134 : memref<4x4096xf32, #tpu.memory_space<hbm>>) target_semaphore(%arg17 : memref<!tpu.dma_semaphore, #tpu.memory_space<semaphore_mem>>)
    %add3A_139 = arith.constant 504 : i32
    %add3A_140 = vector.broadcast %add3A_139 : i32 to vector<16xi32>
    %add3A_141 = arith.addi %add3A_140, %select_n3A_103 : vector<16xi32>
    %gather3A = tpu.vector_load_idx %arg9[%add3A_141] : memref<512xi32, #tpu.memory_space<vmem>>[vector<16xi32>], vector<16xi32>,
    %broadcast_in_dim3A_142 = arith.constant 0 : i32
    %broadcast_in_dim3A_143 = vector.broadcast %broadcast_in_dim3A_142 : i32 to vector<16xi32>
    %gather3A_144 = tpu.vector_load_idx %arg7[%broadcast_in_dim3A_143, %select_n3A_103, %gather3A] : memref<6x4x4096xf32, #tpu.memory_space<vmem>>[vector<16xi32>, vector<16xi32>, vector<16xi32>], vector<16xf32>,
    %jit3A_145 = arith.constant 0.000000e+00 : f32
    %broadcast_in_dim3A_146 = vector.broadcast %jit3A_145 : f32 to vector<16xf32>
    %select_n3A_147 = arith.select %lt3A_106, %gather3A_144, %broadcast_in_dim3A_146 : vector<16xi1>, vector<16xf32>
    %add3A_148 = arith.addf %scan3A_111, %select_n3A_147 : vector<16xf32>
    %dma_wait3A_149 = arith.constant 0 : i32
    %dma_wait3A_150 = arith.constant 1 : i32
    %dma_wait3A_151 = arith.constant 0 : i32
    %dma_wait3A_152 = arith.constant 0 : i32
    %dma_wait3A_153 = tpu.memref_slice %arg7[%dma_wait3A_150, %dma_wait3A_151, %dma_wait3A_152] : memref<6x4x4096xf32, #tpu.memory_space<vmem>> -> memref<1x4x4096xf32, #tpu.memory_space<vmem>>
    %dma_wait3A_154 = tpu.memref_squeeze %dma_wait3A_153 : memref<1x4x4096xf32, #tpu.memory_space<vmem>> -> memref<4x4096xf32, #tpu.memory_space<vmem>>
    %dma_wait3A_155 = arith.constant 508 : i32
    %dma_wait3A_156 = tpu.memref_slice %arg8[%dma_wait3A_149, %dma_wait3A_155] : memref<1x512xi32, #tpu.memory_space<vmem>> -> memref<1x4xi32, #tpu.memory_space<vmem>>
    %dma_wait3A_157 = tpu.memref_squeeze %dma_wait3A_156 : memref<1x4xi32, #tpu.memory_space<vmem>> -> memref<4xi32, #tpu.memory_space<vmem>>
    %dma_wait3A_158 = arith.constant 0 : i32
    %dma_wait3A_159 = arith.constant 0 : i32
    %dma_wait3A_160 = tpu.memref_slice %arg2[%dma_wait3A_158, %dma_wait3A_159] : memref<4096x4096xf32, #tpu.memory_space<hbm>> -> memref<4096x4096xf32, #tpu.memory_space<hbm>>
    tpu.wait_indirect_dma semaphore(%arg12 : memref<!tpu.dma_semaphore, #tpu.memory_space<semaphore_mem>>) src(%dma_wait3A_160 : memref<4096x4096xf32, #tpu.memory_space<hbm>>) dst(%dma_wait3A_154 : memref<4x4096xf32, #tpu.memory_space<vmem>>)
    %add3A_161 = arith.constant 508 : i32
    %add3A_162 = arith.addi %mul3A_2, %add3A_161 : i32
    %dma_start3A_163 = arith.constant 1 : i32
    %dma_start3A_164 = arith.constant 0 : i32
    %dma_start3A_165 = arith.constant 0 : i32
    %dma_start3A_166 = tpu.memref_slice %arg7[%dma_start3A_163, %dma_start3A_164, %dma_start3A_165] : memref<6x4x4096xf32, #tpu.memory_space<vmem>> -> memref<1x4x4096xf32, #tpu.memory_space<vmem>>
    %dma_start3A_167 = tpu.memref_squeeze %dma_start3A_166 : memref<1x4x4096xf32, #tpu.memory_space<vmem>> -> memref<4x4096xf32, #tpu.memory_space<vmem>>
    %dma_start3A_168 = arith.constant 0 : i32
    %dma_start3A_169 = tpu.memref_slice %arg5[%add3A_162, %dma_start3A_168] : memref<16384x4096xf32, #tpu.memory_space<hbm>> -> memref<4x4096xf32, #tpu.memory_space<hbm>>
    %dma_start3A_170 = arith.constant 0 : i32
    %dma_start3A_171 = tpu.memref_slice %arg5[%add3A_162, %dma_start3A_170] : memref<16384x4096xf32, #tpu.memory_space<hbm>> -> memref<4x4096xf32, #tpu.memory_space<hbm>>
    %dma_start3A_172 = arith.constant 0 : i32
    %dma_start3A_173 = arith.constant 0 : i32
    %dma_start3A_174 = tpu.memref_slice %arg7[%dma_start3A_163, %dma_start3A_172, %dma_start3A_173] : memref<6x4x4096xf32, #tpu.memory_space<vmem>> -> memref<1x4x4096xf32, #tpu.memory_space<vmem>>
    %dma_start3A_175 = tpu.memref_squeeze %dma_start3A_174 : memref<1x4x4096xf32, #tpu.memory_space<vmem>> -> memref<4x4096xf32, #tpu.memory_space<vmem>>
    tpu.enqueue_dma source(%dma_start3A_175 : memref<4x4096xf32, #tpu.memory_space<vmem>>) target(%dma_start3A_171 : memref<4x4096xf32, #tpu.memory_space<hbm>>) target_semaphore(%arg18 : memref<!tpu.dma_semaphore, #tpu.memory_space<semaphore_mem>>)
    %add3A_176 = arith.constant 508 : i32
    %add3A_177 = vector.broadcast %add3A_176 : i32 to vector<16xi32>
    %add3A_178 = arith.addi %add3A_177, %select_n3A_103 : vector<16xi32>
    %gather3A_179 = tpu.vector_load_idx %arg9[%add3A_178] : memref<512xi32, #tpu.memory_space<vmem>>[vector<16xi32>], vector<16xi32>,
    %broadcast_in_dim3A_180 = arith.constant 1 : i32
    %broadcast_in_dim3A_181 = vector.broadcast %broadcast_in_dim3A_180 : i32 to vector<16xi32>
    %gather3A_182 = tpu.vector_load_idx %arg7[%broadcast_in_dim3A_181, %select_n3A_103, %gather3A_179] : memref<6x4x4096xf32, #tpu.memory_space<vmem>>[vector<16xi32>, vector<16xi32>, vector<16xi32>], vector<16xf32>,
    %jit3A_183 = arith.constant 0.000000e+00 : f32
    %broadcast_in_dim3A_184 = vector.broadcast %jit3A_183 : f32 to vector<16xf32>
    %select_n3A_185 = arith.select %lt3A_106, %gather3A_182, %broadcast_in_dim3A_184 : vector<16xi1>, vector<16xf32>
    %add3A_186 = arith.addf %add3A_148, %select_n3A_185 : vector<16xf32>
    %add3A_187 = arith.constant 488 : i32
    %add3A_188 = arith.addi %mul3A_2, %add3A_187 : i32
    %dma_wait3A_189 = arith.constant 2 : i32
    %dma_wait3A_190 = arith.constant 0 : i32
    %dma_wait3A_191 = arith.constant 0 : i32
    %dma_wait3A_192 = tpu.memref_slice %arg7[%dma_wait3A_189, %dma_wait3A_190, %dma_wait3A_191] : memref<6x4x4096xf32, #tpu.memory_space<vmem>> -> memref<1x4x4096xf32, #tpu.memory_space<vmem>>
    %dma_wait3A_193 = tpu.memref_squeeze %dma_wait3A_192 : memref<1x4x4096xf32, #tpu.memory_space<vmem>> -> memref<4x4096xf32, #tpu.memory_space<vmem>>
    %dma_wait3A_194 = arith.constant 0 : i32
    %dma_wait3A_195 = tpu.memref_slice %arg5[%add3A_188, %dma_wait3A_194] : memref<16384x4096xf32, #tpu.memory_space<hbm>> -> memref<4x4096xf32, #tpu.memory_space<hbm>>
    %dma_wait3A_196 = arith.constant 0 : i32
    %dma_wait3A_197 = tpu.memref_slice %arg5[%add3A_188, %dma_wait3A_196] : memref<16384x4096xf32, #tpu.memory_space<hbm>> -> memref<4x4096xf32, #tpu.memory_space<hbm>>
    %dma_wait3A_198 = arith.constant 0 : i32
    %dma_wait3A_199 = arith.constant 0 : i32
    %dma_wait3A_200 = tpu.memref_slice %arg7[%dma_wait3A_189, %dma_wait3A_198, %dma_wait3A_199] : memref<6x4x4096xf32, #tpu.memory_space<vmem>> -> memref<1x4x4096xf32, #tpu.memory_space<vmem>>
    %dma_wait3A_201 = tpu.memref_squeeze %dma_wait3A_200 : memref<1x4x4096xf32, #tpu.memory_space<vmem>> -> memref<4x4096xf32, #tpu.memory_space<vmem>>
    tpu.wait_dma2 semaphore(%arg19 : memref<!tpu.dma_semaphore, #tpu.memory_space<semaphore_mem>>) src(%dma_wait3A_201 : memref<4x4096xf32, #tpu.memory_space<vmem>>) dst(%dma_wait3A_197 : memref<4x4096xf32, #tpu.memory_space<hbm>>)
    %add3A_202 = arith.constant 492 : i32
    %add3A_203 = arith.addi %mul3A_2, %add3A_202 : i32
    %dma_wait3A_204 = arith.constant 3 : i32
    %dma_wait3A_205 = arith.constant 0 : i32
    %dma_wait3A_206 = arith.constant 0 : i32
    %dma_wait3A_207 = tpu.memref_slice %arg7[%dma_wait3A_204, %dma_wait3A_205, %dma_wait3A_206] : memref<6x4x4096xf32, #tpu.memory_space<vmem>> -> memref<1x4x4096xf32, #tpu.memory_space<vmem>>
    %dma_wait3A_208 = tpu.memref_squeeze %dma_wait3A_207 : memref<1x4x4096xf32, #tpu.memory_space<vmem>> -> memref<4x4096xf32, #tpu.memory_space<vmem>>
    %dma_wait3A_209 = arith.constant 0 : i32
    %dma_wait3A_210 = tpu.memref_slice %arg5[%add3A_203, %dma_wait3A_209] : memref<16384x4096xf32, #tpu.memory_space<hbm>> -> memref<4x4096xf32, #tpu.memory_space<hbm>>
    %dma_wait3A_211 = arith.constant 0 : i32
    %dma_wait3A_212 = tpu.memref_slice %arg5[%add3A_203, %dma_wait3A_211] : memref<16384x4096xf32, #tpu.memory_space<hbm>> -> memref<4x4096xf32, #tpu.memory_space<hbm>>
    %dma_wait3A_213 = arith.constant 0 : i32
    %dma_wait3A_214 = arith.constant 0 : i32
    %dma_wait3A_215 = tpu.memref_slice %arg7[%dma_wait3A_204, %dma_wait3A_213, %dma_wait3A_214] : memref<6x4x4096xf32, #tpu.memory_space<vmem>> -> memref<1x4x4096xf32, #tpu.memory_space<vmem>>
    %dma_wait3A_216 = tpu.memref_squeeze %dma_wait3A_215 : memref<1x4x4096xf32, #tpu.memory_space<vmem>> -> memref<4x4096xf32, #tpu.memory_space<vmem>>
    tpu.wait_dma2 semaphore(%arg20 : memref<!tpu.dma_semaphore, #tpu.memory_space<semaphore_mem>>) src(%dma_wait3A_216 : memref<4x4096xf32, #tpu.memory_space<vmem>>) dst(%dma_wait3A_212 : memref<4x4096xf32, #tpu.memory_space<hbm>>)
    %add3A_217 = arith.constant 496 : i32
    %add3A_218 = arith.addi %mul3A_2, %add3A_217 : i32
    %dma_wait3A_219 = arith.constant 4 : i32
    %dma_wait3A_220 = arith.constant 0 : i32
    %dma_wait3A_221 = arith.constant 0 : i32
    %dma_wait3A_222 = tpu.memref_slice %arg7[%dma_wait3A_219, %dma_wait3A_220, %dma_wait3A_221] : memref<6x4x4096xf32, #tpu.memory_space<vmem>> -> memref<1x4x4096xf32, #tpu.memory_space<vmem>>
    %dma_wait3A_223 = tpu.memref_squeeze %dma_wait3A_222 : memref<1x4x4096xf32, #tpu.memory_space<vmem>> -> memref<4x4096xf32, #tpu.memory_space<vmem>>
    %dma_wait3A_224 = arith.constant 0 : i32
    %dma_wait3A_225 = tpu.memref_slice %arg5[%add3A_218, %dma_wait3A_224] : memref<16384x4096xf32, #tpu.memory_space<hbm>> -> memref<4x4096xf32, #tpu.memory_space<hbm>>
    %dma_wait3A_226 = arith.constant 0 : i32
    %dma_wait3A_227 = tpu.memref_slice %arg5[%add3A_218, %dma_wait3A_226] : memref<16384x4096xf32, #tpu.memory_space<hbm>> -> memref<4x4096xf32, #tpu.memory_space<hbm>>
    %dma_wait3A_228 = arith.constant 0 : i32
    %dma_wait3A_229 = arith.constant 0 : i32
    %dma_wait3A_230 = tpu.memref_slice %arg7[%dma_wait3A_219, %dma_wait3A_228, %dma_wait3A_229] : memref<6x4x4096xf32, #tpu.memory_space<vmem>> -> memref<1x4x4096xf32, #tpu.memory_space<vmem>>
    %dma_wait3A_231 = tpu.memref_squeeze %dma_wait3A_230 : memref<1x4x4096xf32, #tpu.memory_space<vmem>> -> memref<4x4096xf32, #tpu.memory_space<vmem>>
    tpu.wait_dma2 semaphore(%arg21 : memref<!tpu.dma_semaphore, #tpu.memory_space<semaphore_mem>>) src(%dma_wait3A_231 : memref<4x4096xf32, #tpu.memory_space<vmem>>) dst(%dma_wait3A_227 : memref<4x4096xf32, #tpu.memory_space<hbm>>)
    %add3A_232 = arith.constant 500 : i32
    %add3A_233 = arith.addi %mul3A_2, %add3A_232 : i32
    %dma_wait3A_234 = arith.constant 5 : i32
    %dma_wait3A_235 = arith.constant 0 : i32
    %dma_wait3A_236 = arith.constant 0 : i32
    %dma_wait3A_237 = tpu.memref_slice %arg7[%dma_wait3A_234, %dma_wait3A_235, %dma_wait3A_236] : memref<6x4x4096xf32, #tpu.memory_space<vmem>> -> memref<1x4x4096xf32, #tpu.memory_space<vmem>>
    %dma_wait3A_238 = tpu.memref_squeeze %dma_wait3A_237 : memref<1x4x4096xf32, #tpu.memory_space<vmem>> -> memref<4x4096xf32, #tpu.memory_space<vmem>>
    %dma_wait3A_239 = arith.constant 0 : i32
    %dma_wait3A_240 = tpu.memref_slice %arg5[%add3A_233, %dma_wait3A_239] : memref<16384x4096xf32, #tpu.memory_space<hbm>> -> memref<4x4096xf32, #tpu.memory_space<hbm>>
    %dma_wait3A_241 = arith.constant 0 : i32
    %dma_wait3A_242 = tpu.memref_slice %arg5[%add3A_233, %dma_wait3A_241] : memref<16384x4096xf32, #tpu.memory_space<hbm>> -> memref<4x4096xf32, #tpu.memory_space<hbm>>
    %dma_wait3A_243 = arith.constant 0 : i32
    %dma_wait3A_244 = arith.constant 0 : i32
    %dma_wait3A_245 = tpu.memref_slice %arg7[%dma_wait3A_234, %dma_wait3A_243, %dma_wait3A_244] : memref<6x4x4096xf32, #tpu.memory_space<vmem>> -> memref<1x4x4096xf32, #tpu.memory_space<vmem>>
    %dma_wait3A_246 = tpu.memref_squeeze %dma_wait3A_245 : memref<1x4x4096xf32, #tpu.memory_space<vmem>> -> memref<4x4096xf32, #tpu.memory_space<vmem>>
    tpu.wait_dma2 semaphore(%arg22 : memref<!tpu.dma_semaphore, #tpu.memory_space<semaphore_mem>>) src(%dma_wait3A_246 : memref<4x4096xf32, #tpu.memory_space<vmem>>) dst(%dma_wait3A_242 : memref<4x4096xf32, #tpu.memory_space<hbm>>)
    %add3A_247 = arith.constant 504 : i32
    %add3A_248 = arith.addi %mul3A_2, %add3A_247 : i32
    %dma_wait3A_249 = arith.constant 0 : i32
    %dma_wait3A_250 = arith.constant 0 : i32
    %dma_wait3A_251 = arith.constant 0 : i32
    %dma_wait3A_252 = tpu.memref_slice %arg7[%dma_wait3A_249, %dma_wait3A_250, %dma_wait3A_251] : memref<6x4x4096xf32, #tpu.memory_space<vmem>> -> memref<1x4x4096xf32, #tpu.memory_space<vmem>>
    %dma_wait3A_253 = tpu.memref_squeeze %dma_wait3A_252 : memref<1x4x4096xf32, #tpu.memory_space<vmem>> -> memref<4x4096xf32, #tpu.memory_space<vmem>>
    %dma_wait3A_254 = arith.constant 0 : i32
    %dma_wait3A_255 = tpu.memref_slice %arg5[%add3A_248, %dma_wait3A_254] : memref<16384x4096xf32, #tpu.memory_space<hbm>> -> memref<4x4096xf32, #tpu.memory_space<hbm>>
    %dma_wait3A_256 = arith.constant 0 : i32
    %dma_wait3A_257 = tpu.memref_slice %arg5[%add3A_248, %dma_wait3A_256] : memref<16384x4096xf32, #tpu.memory_space<hbm>> -> memref<4x4096xf32, #tpu.memory_space<hbm>>
    %dma_wait3A_258 = arith.constant 0 : i32
    %dma_wait3A_259 = arith.constant 0 : i32
    %dma_wait3A_260 = tpu.memref_slice %arg7[%dma_wait3A_249, %dma_wait3A_258, %dma_wait3A_259] : memref<6x4x4096xf32, #tpu.memory_space<vmem>> -> memref<1x4x4096xf32, #tpu.memory_space<vmem>>
    %dma_wait3A_261 = tpu.memref_squeeze %dma_wait3A_260 : memref<1x4x4096xf32, #tpu.memory_space<vmem>> -> memref<4x4096xf32, #tpu.memory_space<vmem>>
    tpu.wait_dma2 semaphore(%arg17 : memref<!tpu.dma_semaphore, #tpu.memory_space<semaphore_mem>>) src(%dma_wait3A_261 : memref<4x4096xf32, #tpu.memory_space<vmem>>) dst(%dma_wait3A_257 : memref<4x4096xf32, #tpu.memory_space<hbm>>)
    %add3A_262 = arith.constant 508 : i32
    %add3A_263 = arith.addi %mul3A_2, %add3A_262 : i32
    %dma_wait3A_264 = arith.constant 1 : i32
    %dma_wait3A_265 = arith.constant 0 : i32
    %dma_wait3A_266 = arith.constant 0 : i32
    %dma_wait3A_267 = tpu.memref_slice %arg7[%dma_wait3A_264, %dma_wait3A_265, %dma_wait3A_266] : memref<6x4x4096xf32, #tpu.memory_space<vmem>> -> memref<1x4x4096xf32, #tpu.memory_space<vmem>>
    %dma_wait3A_268 = tpu.memref_squeeze %dma_wait3A_267 : memref<1x4x4096xf32, #tpu.memory_space<vmem>> -> memref<4x4096xf32, #tpu.memory_space<vmem>>
    %dma_wait3A_269 = arith.constant 0 : i32
    %dma_wait3A_270 = tpu.memref_slice %arg5[%add3A_263, %dma_wait3A_269] : memref<16384x4096xf32, #tpu.memory_space<hbm>> -> memref<4x4096xf32, #tpu.memory_space<hbm>>
    %dma_wait3A_271 = arith.constant 0 : i32
    %dma_wait3A_272 = tpu.memref_slice %arg5[%add3A_263, %dma_wait3A_271] : memref<16384x4096xf32, #tpu.memory_space<hbm>> -> memref<4x4096xf32, #tpu.memory_space<hbm>>
    %dma_wait3A_273 = arith.constant 0 : i32
    %dma_wait3A_274 = arith.constant 0 : i32
    %dma_wait3A_275 = tpu.memref_slice %arg7[%dma_wait3A_264, %dma_wait3A_273, %dma_wait3A_274] : memref<6x4x4096xf32, #tpu.memory_space<vmem>> -> memref<1x4x4096xf32, #tpu.memory_space<vmem>>
    %dma_wait3A_276 = tpu.memref_squeeze %dma_wait3A_275 : memref<1x4x4096xf32, #tpu.memory_space<vmem>> -> memref<4x4096xf32, #tpu.memory_space<vmem>>
    tpu.wait_dma2 semaphore(%arg18 : memref<!tpu.dma_semaphore, #tpu.memory_space<semaphore_mem>>) src(%dma_wait3A_276 : memref<4x4096xf32, #tpu.memory_space<vmem>>) dst(%dma_wait3A_272 : memref<4x4096xf32, #tpu.memory_space<hbm>>)
    %swap3A = arith.constant 0 : index
    %swap3A_277 = tpu.vector_load %arg10[%swap3A] {strides = array<i32>} : memref<16xf32, #tpu.memory_space<vmem>>, vector<16xf32>,
    tpu.vector_store %arg10[%swap3A], %add3A_186 {strides = array<i32>} : memref<16xf32, #tpu.memory_space<vmem>>, vector<16xf32>,
    "tpu.region"() ({
      %run_scoped3A = tpu.sem_alloc : memref<!tpu.dma_semaphore, #tpu.memory_space<semaphore_mem>>
      %dma_start3A_278 = arith.constant 0 : i32
      %dma_start3A_279 = tpu.memref_slice %arg6[%add3A, %dma_start3A_278] : memref<32x16xf32, #tpu.memory_space<hbm>> -> memref<1x16xf32, #tpu.memory_space<hbm>>
      %dma_start3A_280 = tpu.memref_squeeze %dma_start3A_279 : memref<1x16xf32, #tpu.memory_space<hbm>> -> memref<16xf32, #tpu.memory_space<hbm>>
      %dma_start3A_281 = arith.constant 0 : i32
      %dma_start3A_282 = tpu.memref_slice %arg6[%add3A, %dma_start3A_281] : memref<32x16xf32, #tpu.memory_space<hbm>> -> memref<1x16xf32, #tpu.memory_space<hbm>>
      %dma_start3A_283 = tpu.memref_squeeze %dma_start3A_282 : memref<1x16xf32, #tpu.memory_space<hbm>> -> memref<16xf32, #tpu.memory_space<hbm>>
      tpu.enqueue_dma source(%arg10 : memref<16xf32, #tpu.memory_space<vmem>>) target(%dma_start3A_283 : memref<16xf32, #tpu.memory_space<hbm>>) target_semaphore(%run_scoped3A : memref<!tpu.dma_semaphore, #tpu.memory_space<semaphore_mem>>)
      %dma_wait3A_284 = arith.constant 0 : i32
      %dma_wait3A_285 = tpu.memref_slice %arg6[%add3A, %dma_wait3A_284] : memref<32x16xf32, #tpu.memory_space<hbm>> -> memref<1x16xf32, #tpu.memory_space<hbm>>
      %dma_wait3A_286 = tpu.memref_squeeze %dma_wait3A_285 : memref<1x16xf32, #tpu.memory_space<hbm>> -> memref<16xf32, #tpu.memory_space<hbm>>
      %dma_wait3A_287 = arith.constant 0 : i32
      %dma_wait3A_288 = tpu.memref_slice %arg6[%add3A, %dma_wait3A_287] : memref<32x16xf32, #tpu.memory_space<hbm>> -> memref<1x16xf32, #tpu.memory_space<hbm>>
      %dma_wait3A_289 = tpu.memref_squeeze %dma_wait3A_288 : memref<1x16xf32, #tpu.memory_space<hbm>> -> memref<16xf32, #tpu.memory_space<hbm>>
      tpu.wait_dma2 semaphore(%run_scoped3A : memref<!tpu.dma_semaphore, #tpu.memory_space<semaphore_mem>>) src(%arg10 : memref<16xf32, #tpu.memory_space<vmem>>) dst(%dma_wait3A_289 : memref<16xf32, #tpu.memory_space<hbm>>)
      tpu.yield
    }) : () -> ()
    return
  }
}

module attributes {stable_mosaic.version = 14 : i64} {
  func.func @_lse_body(%arg0: i32, %arg1: memref<256x4096xf32, #tpu.memory_space<vmem>>, %arg2: memref<256x1xf32, #tpu.memory_space<vmem>>) attributes {dimension_semantics = [#tpu.dimension_semantics<arbitrary>], iteration_bounds = array<i64: 16>, scalar_prefetch = 0 : i64, scratch_operands = 0 : i64, tpu.core_type = #tpu.core_type<tc>, window_params = [{transform_indices = @transform_0, window_bounds = array<i64: 256, 4096>}, {transform_indices = @transform_1, window_bounds = array<i64: 256, 1>}]} {
    %get3A = arith.constant 0 : index
    %get3A_0 = arith.constant 0 : index
    %get3A_1 = vector.load %arg1[%get3A, %get3A_0] : memref<256x4096xf32, #tpu.memory_space<vmem>>, vector<256x4096xf32>
    %reduce_max3A = arith.constant dense<0xFF800000> : vector<256xf32>
    %reduce_max3A_2 = vector.multi_reduction <maximumf>, %get3A_1, %reduce_max3A [1] : vector<256x4096xf32> to vector<256xf32>
    %broadcast_in_dim3A = vector.shape_cast %reduce_max3A_2 : vector<256xf32> to vector<256x1xf32>
    %sub3A = vector.broadcast %broadcast_in_dim3A : vector<256x1xf32> to vector<256x4096xf32>
    %sub3A_3 = arith.subf %get3A_1, %sub3A : vector<256x4096xf32>
    %exp3A = math.exp %sub3A_3 : vector<256x4096xf32>
    %reduce_sum3A = arith.constant dense<0.000000e+00> : vector<256xf32>
    %reduce_sum3A_4 = vector.multi_reduction <add>, %exp3A, %reduce_sum3A [1] : vector<256x4096xf32> to vector<256xf32>
    %broadcast_in_dim3A_5 = vector.shape_cast %reduce_sum3A_4 : vector<256xf32> to vector<256x1xf32>
    %log3A = math.log %broadcast_in_dim3A_5 : vector<256x1xf32>
    %add3A = arith.addf %broadcast_in_dim3A, %log3A : vector<256x1xf32>
    %swap3A = arith.constant 0 : index
    %swap3A_6 = arith.constant 0 : index
    %swap3A_7 = vector.load %arg2[%swap3A, %swap3A_6] : memref<256x1xf32, #tpu.memory_space<vmem>>, vector<256x1xf32>
    tpu.vector_store %arg2[%swap3A, %swap3A_6], %add3A {strides = array<i32>} : memref<256x1xf32, #tpu.memory_space<vmem>>, vector<256x1xf32>,
    return
  }
  func.func @transform_0(%arg0: i32) -> (i32, i32) {
    %c0_i32 = arith.constant 0 : i32
    %c0_i32_0 = arith.constant 0 : i32
    return %arg0, %c0_i32 : i32, i32
  }
  func.func @transform_1(%arg0: i32) -> (i32, i32) {
    %c0_i32 = arith.constant 0 : i32
    %c0_i32_0 = arith.constant 0 : i32
    return %arg0, %c0_i32 : i32, i32
  }
}

module attributes {stable_mosaic.version = 14 : i64} {
  func.func @_lsesum_body(%arg0: i32, %arg1: memref<128x128xi32, #tpu.memory_space<vmem>>, %arg2: memref<512x1xf32, #tpu.memory_space<vmem>>, %arg3: memref<1x1x1xf32, #tpu.memory_space<vmem>>) attributes {dimension_semantics = [#tpu.dimension_semantics<arbitrary>], iteration_bounds = array<i64: 8>, scalar_prefetch = 0 : i64, scratch_operands = 0 : i64, tpu.core_type = #tpu.core_type<tc>, window_params = [{pipeline_mode = #tpu.pipeline_mode<synchronous>, transform_indices = @transform_0, window_bounds = array<i64: 128, 128>}, {transform_indices = @transform_1, window_bounds = array<i64: 512, 1>}, {transform_indices = @transform_2, window_bounds = array<i64: 1, 1, 1>}]} {
    %iota3A = tpu.iota {dimensions = array<i32: 0>} : vector<512x1xi32>
    %mul3A = arith.constant 512 : i32
    %mul3A_0 = arith.muli %arg0, %mul3A : i32
    %add3A = vector.broadcast %mul3A_0 : i32 to vector<512x1xi32>
    %add3A_1 = arith.addi %iota3A, %add3A : vector<512x1xi32>
    %broadcast_in_dim3A = arith.constant 0.000000e+00 : f32
    %broadcast_in_dim3A_2 = vector.broadcast %broadcast_in_dim3A : f32 to vector<512x128xf32>
    %scan3A = arith.constant 0 : i32
    %scan3A_3 = arith.constant 128 : i32
    %scan3A_4 = arith.addi %scan3A, %scan3A_3 : i32
    %scan3A_5 = arith.constant 1 : i32
    %scan3A_6 = scf.for %scan3A_21 = %scan3A to %scan3A_4 step %scan3A_5 iter_args(%scan3A_22 = %broadcast_in_dim3A_2) -> (vector<512x128xf32>)  : i32 {
      %get3A_23 = arith.index_cast %scan3A_21 : i32 to index
      %get3A_24 = arith.constant 0 : index
      %get3A_25 = vector.load %arg1[%get3A_23, %get3A_24] : memref<128x128xi32, #tpu.memory_space<vmem>>, vector<1x128xi32>
      %eq3A = vector.broadcast %get3A_25 : vector<1x128xi32> to vector<512x128xi32>
      %eq3A_26 = vector.broadcast %add3A_1 : vector<512x1xi32> to vector<512x128xi32>
      %eq3A_27 = arith.cmpi eq, %eq3A, %eq3A_26 : vector<512x128xi32>
      %convert_element_type3A = arith.extui %eq3A_27 : vector<512x128xi1> to vector<512x128xi32>
      %convert_element_type3A_28 = arith.sitofp %convert_element_type3A : vector<512x128xi32> to vector<512x128xf32>
      %add3A_29 = arith.addf %scan3A_22, %convert_element_type3A_28 : vector<512x128xf32>
      scf.yield %add3A_29 : vector<512x128xf32>
    }
    %scan3A_7 = arith.constant 128 : i32
    %reduce_sum3A = arith.constant dense<0.000000e+00> : vector<512xf32>
    %reduce_sum3A_8 = vector.multi_reduction <add>, %scan3A_6, %reduce_sum3A [1] : vector<512x128xf32> to vector<512xf32>
    %broadcast_in_dim3A_9 = vector.shape_cast %reduce_sum3A_8 : vector<512xf32> to vector<512x1xf32>
    %get3A = arith.constant 0 : index
    %get3A_10 = arith.constant 0 : index
    %get3A_11 = vector.load %arg2[%get3A, %get3A_10] : memref<512x1xf32, #tpu.memory_space<vmem>>, vector<512x1xf32>
    %mul3A_12 = arith.mulf %broadcast_in_dim3A_9, %get3A_11 : vector<512x1xf32>
    %reduce_sum3A_13 = vector.shape_cast %mul3A_12 : vector<512x1xf32> to vector<1x512x1xf32>
    %reduce_sum3A_14 = arith.constant dense<0.000000e+00> : vector<1xf32>
    %reduce_sum3A_15 = vector.multi_reduction <add>, %reduce_sum3A_13, %reduce_sum3A_14 [1, 2] : vector<1x512x1xf32> to vector<1xf32>
    %reduce_sum3A_16 = vector.shape_cast %reduce_sum3A_15 : vector<1xf32> to vector<1x1x1xf32>
    %reduce_sum3A_17 = vector.extract %reduce_sum3A_16[0, 0, 0] : f32 from vector<1x1x1xf32>
    %reshape3A = vector.broadcast %reduce_sum3A_17 : f32 to vector<1x1x1xf32>
    %swap3A = arith.constant 0 : index
    %swap3A_18 = arith.constant 0 : index
    %swap3A_19 = arith.constant 0 : index
    %swap3A_20 = vector.load %arg3[%swap3A, %swap3A_18, %swap3A_19] : memref<1x1x1xf32, #tpu.memory_space<vmem>>, vector<1x1x1xf32>
    tpu.vector_store %arg3[%swap3A, %swap3A_18, %swap3A_19], %reshape3A {strides = array<i32>} : memref<1x1x1xf32, #tpu.memory_space<vmem>>, vector<1x1x1xf32>,
    return
  }
  func.func @transform_0(%arg0: i32) -> (i32, i32) {
    %c0_i32 = arith.constant 0 : i32
    %c0_i32_0 = arith.constant 0 : i32
    %c0_i32_1 = arith.constant 0 : i32
    return %c0_i32, %c0_i32_0 : i32, i32
  }
  func.func @transform_1(%arg0: i32) -> (i32, i32) {
    %c0_i32 = arith.constant 0 : i32
    %c0_i32_0 = arith.constant 0 : i32
    return %arg0, %c0_i32 : i32, i32
  }
  func.func @transform_2(%arg0: i32) -> (i32, i32, i32) {
    %c0_i32 = arith.constant 0 : i32
    %c0_i32_0 = arith.constant 0 : i32
    %c0_i32_1 = arith.constant 0 : i32
    return %arg0, %c0_i32, %c0_i32_0 : i32, i32, i32
  }
}

</mosaic_0001>

<sc_bundles>
// kernel: kernel.5.cloned.1.call-start
scs
__scs_entry_jumppad:
0x0: {  	(pc) =	sbr.rel $0x88, $3  }
0x1: {  	(tag) =	ssettag $0x0;
	lr =	simm.s32 $0x1  }
0x2: {  	[smem:$0x3F9E] =	sst lr;
	_ =	strace $0xD0000000  }
0x3: {  	_ = 	snop  }
0x4: {  	_ = 	snop  }
0x5: {  	_ = 	snop  }
0x6: {  	_ = 	snop  }
0x7: {  	_ = 	snop  }
__scs_overlays_trampoline_lowered:
0x8: {  	[smem:$0x3FAD] =	sst s0  }
0x9: {  	[smem:$0x3FAE] =	sst s1  }
0xa: {  	[smem:$0x3FAF] =	sst s2  }
0xb: {  	[smem:$0x3FB0] =	sst s3  }
0xc: {  	[smem:$0x3FB1] =	sst s4  }
0xd: {  	[smem:$0x3FB2] =	sst s5  }
0xe: {  	[smem:$0x3FB3] =	sst s6  }
0xf: {  	[smem:$0x3FB4] =	sst s7  }
0x10: {  	[smem:$0x3FB5] =	sst s8  }
0x11: {  	[smem:$0x3FB6] =	sst s9;
	s0 =	simm.s32 @!p0 $0x0  }
0x12: {  	s1 =	sld [smem:$0x3F9C];
	s0 =	simm.s32 @p0 $0x1  }
0x13: {  	[smem:$0x3FB7] =	sst s0;
	s0 =	simm.s32 @!p1 $0x0  }
0x14: {  	s2 =	sld [smem:$0x3F9B];
	s0 =	simm.s32 @p1 $0x1  }
0x15: {  	[smem:$0x3FB8] =	sst s0;
	s0 =	simm.s32 @!p2 $0x0  }
0x16: {  	s3 =	sld [smem:$0x3FDB];
	s0 =	simm.s32 @p2 $0x1  }
0x17: {  	s4 =	simm.s32 $0x1BF5;
	[smem:$0x3FBA] =	sst s0  }
0x18: {  	s0 =	sld [smem:$0x3F9D];
	_ =	swait.ge [sflag:s4], $0x0  }
0x19: {  	s7 =	sld [smem:$0x3F9E]  }
0x1a: {  	s8 =	sadd.s32 $0xFFFFE003, lr  }
0x1b: {  	s9 =	sadd.s32 $0xFFFFFEF7, lr;
	s5 =	simm.s32 $0xFFFFFFFF;
	p2 =	slt.u32 s8, $0xFFFFF086  }
0x1c: {  	p1 =	slt.u32 s9, $0xF7A;
	s5 =	simm.s32 @!p2 $0x0  }
0x1d: {  	s5 =	simm.s32 @p1 $0x1;
	p0 =	seq.s32 s7, s2  }
0x1e: {  	s7 =	smul.u32 @!p0 $0xF7A, s2;
	p2 =	seq.s32 @!p0 s5, $0x0  }
0x1f: {  	s9 =	smul.u32 $0xF7A, s1;
	s8 =	simm.s32 @!p0 $0x1BF5;
	p2 =	por !p2, p0  }
0x20: {  	[sflag:s8] =	ssyncset.s32 @!p0 $0xFFFFF086;
	s6 =	sadd.s32 @!p0 s3, s7;
	s7 =	simm.s32 @!p0 $0x108  }
0x21: {  	s3 =	sadd.s32 s3, s9;
	s6 =	sadd.s32 @!p0 $0x88, s6;
	s7 =	simm.s32 @p2 $0x1082  }
0x22: {  	[simem:s7], [sflag:s8] =	dma.local @!p0 [hbm:s6], $0xF7A  }
0x23: {  	s9 =	sor.u32 $0xD0000000, s2;
	s6 =	simm.s32 $0x108;
	_ =	swait.ge @!p0 [sflag:s8], $0x0  }
0x24: {  	s3 =	sadd.s32 $0x88, s3;
	s6 =	simm.s32 @!p1 $0x1082;
	[sflag:s4] =	ssyncset.s32 $0xFFFFF086  }
0x25: {  	[simem:s6], [sflag:s4] =	dma.local [hbm:s3], $0xF7A  }
0x26: {  	[smem:$0x3F9E] =	sst s1;
	(tag) =	ssettag s2;
	_ =	strace s9  }
0x27: {  	s1 =	sld [smem:$0x3FAE]  }
0x28: {  	s2 =	sld [smem:$0x3FAF]  }
0x29: {  	s4 =	sld [smem:$0x3FB1]  }
0x2a: {  	p0 =	seq.s32 s5, $0x0;
	s5 =	sld [smem:$0x3FB2]  }
0x2b: {  	s6 =	sld [smem:$0x3FB3]  }
0x2c: {  	s7 =	sld [smem:$0x3FB4]  }
0x2d: {  	s3 =	simm.s32 $0x108;
	s8 =	sld [smem:$0x3FB5]  }
0x2e: {  	s3 =	simm.s32 @!p0 $0x1082;
	s9 =	sld [smem:$0x3FB6]  }
0x2f: {  	lr =	sadd.s32 s0, s3;
	s0 =	sld [smem:$0x3FAD]  }
0x30: {  	s3 =	sld [smem:$0x3FB0]  }
0x31: {  	[smem:$0x3FB9] =	sst s10  }
0x32: {  	s10 =	sld [smem:$0x3FB7];
	_ =	sdelay $0x3  }
0x33: {  	p0 =	seq.s32 s10, $0x1;
	s10 =	sld [smem:$0x3FB9];
	_ =	sdelay $0x3  }
0x34: {  	[smem:$0x3FB9] =	sst s10  }
0x35: {  	s10 =	sld [smem:$0x3FB8];
	_ =	sdelay $0x3  }
0x36: {  	p1 =	seq.s32 s10, $0x1;
	s10 =	sld [smem:$0x3FB9];
	_ =	sdelay $0x3  }
0x37: {  	[smem:$0x3FB9] =	sst s10  }
0x38: {  	s10 =	sld [smem:$0x3FBA]  }
0x39: {  	_ = 	snop;
	(pc) =	sbr.ind lr, $3  }
0x3a: {  	_ = 	snop  }
0x3b: {  	_ = 	snop  }
0x3c: {  	p2 =	seq.s32 s10, $0x1;
	s10 =	sld [smem:$0x3FB9]  }
0x3d: {  	_ =	shalt  }
0x3e: {  	_ =	shalt  }
0x3f: {  	_ =	shalt  }
0x40: {  	_ =	shalt  }
0x41: {  	_ =	shalt  }
0x42: {  	_ =	shalt  }
0x43: {  	_ =	shalt  }
0x44: {  	_ =	shalt  }
0x45: {  	_ =	shalt  }
0x46: {  	_ =	shalt  }
0x47: {  	_ =	shalt  }
0x48: {  	_ =	shalt  }
0x49: {  	_ =	shalt  }
0x4a: {  	_ =	shalt  }
0x4b: {  	_ =	shalt  }
0x4c: {  	_ =	shalt  }
0x4d: {  	_ =	shalt  }
0x4e: {  	_ =	shalt  }
0x4f: {  	_ =	shalt  }
0x50: {  	_ =	shalt  }
0x51: {  	_ =	shalt  }
0x52: {  	_ =	shalt  }
0x53: {  	_ =	shalt  }
0x54: {  	_ =	shalt  }
0x55: {  	_ =	shalt  }
0x56: {  	_ =	shalt  }
0x57: {  	_ =	shalt  }
0x58: {  	_ =	shalt  }
0x59: {  	_ =	shalt  }
0x5a: {  	_ =	shalt  }
0x5b: {  	_ =	shalt  }
0x5c: {  	_ =	shalt  }
0x5d: {  	_ =	shalt  }
0x5e: {  	_ =	shalt  }
0x5f: {  	_ =	shalt  }
0x60: {  	_ =	shalt  }
0x61: {  	_ =	shalt  }
0x62: {  	_ =	shalt  }
0x63: {  	_ =	shalt  }
0x64: {  	_ =	shalt  }
0x65: {  	_ =	shalt  }
0x66: {  	_ =	shalt  }
0x67: {  	_ =	shalt  }
0x68: {  	_ =	shalt  }
0x69: {  	_ =	shalt  }
0x6a: {  	_ =	shalt  }
0x6b: {  	_ =	shalt  }
0x6c: {  	_ =	shalt  }
0x6d: {  	_ =	shalt  }
0x6e: {  	_ =	shalt  }
0x6f: {  	_ =	shalt  }
0x70: {  	_ =	shalt  }
0x71: {  	_ =	shalt  }
0x72: {  	_ =	shalt  }
0x73: {  	_ =	shalt  }
0x74: {  	_ =	shalt  }
0x75: {  	_ =	shalt  }
0x76: {  	_ =	shalt  }
0x77: {  	_ =	shalt  }
0x78: {  	_ =	shalt  }
0x79: {  	_ =	shalt  }
0x7a: {  	_ =	shalt  }
0x7b: {  	_ =	shalt  }
0x7c: {  	_ =	shalt  }
0x7d: {  	_ =	shalt  }
0x7e: {  	_ =	shalt  }
0x7f: {  	_ =	shalt  }
0x80: {  	_ =	shalt  }
0x81: {  	_ =	shalt  }
0x82: {  	_ =	shalt  }
0x83: {  	_ =	shalt  }
0x84: {  	_ =	shalt  }
0x85: {  	_ =	shalt  }
0x86: {  	_ =	shalt  }
0x87: {  	_ =	shalt  }
.Lfunc_end0:
.L_simem_size_0:
called_computation_lowered:
.L_overlay_start_0:
0x88: {  	s2 =	sld [smem:$0x3FD9]  }
0x89: {  	s3 =	sld [smem:$0x3FFE];
	_ =	sdelay $0x1  }
0x8a: {  	s1 =	srdreg.scid  }
0x8b: {  	s0 =	sand.u32 $0x1, s1  }
0x8c: {  	s14 =	sshll.u32 s0, $0xA;
	s2 =	sadd.s32 s3, s2  }
0x8d: {  	s2 =	sadd.s32 s2, s14  }
0x8e: {  	[smem:$0x3FC5] =	sst s2  }
0x8f: {  	_ = 	snop  }
0x90: {  	s2 =	sld [smem:$0x3FD0]  }
0x91: {  	s15 =	sld [smem:$0x3FC9]  }
0x92: {  	s4 =	sld [smem:$0x3FC8]  }
0x93: {  	s6 =	simm.s32 $0xA;
	s7 =	simm.s32 $0x10;
	s5 =	sld [smem:$0x3FC7]  }
0x94: {  	[smem:s7], [sflag:s6] =	dma.local [hbm:s2], $0x1  }
0x95: {  	_ =	swait.eq [sflag:s6], $0x1  }
0x96: {  	[sflag:s6] =	ssyncset.done $0x0  }
0x97: {  	[sflag:s6] =	ssyncadd.s32 $0xFFFFFFFF  }
0x98: {  	s16 =	sld [smem:$0x10];
	(tm) =	ssettm $0x1  }
0x99: {  	s17 =	sld [smem:$0x3FFB];
	_ =	sdelay $0x3  }
0x9a: {  	_ =	strace s17  }
0x9b: {  	s6 =	sld [smem:$0x3FFC];
	_ =	sdelay $0x3  }
0x9c: {  	_ =	strace s6  }
0x9d: {  	s6 =	sld [smem:$0x3FFD];
	_ =	sdelay $0x3  }
0x9e: {  	_ =	strace s6  }
0x9f: {  	_ =	strace $0x8FFFFFFF  }
0xa0: {  	s18 =	sld [smem:$0x3FDB];
	_ =	sdelay $0x1  }
0xa1: {  	s19 =	simm.s32 $_scs_section_size  }
0xa2: {  	s8 =	simm.s32 $_size__tile_overlayer_lowered;
	s9 =	simm.s32 $_tile_overlayer_lowered  }
0xa3: {  	s22 =	simm.s32 $0x1BFF;
	s21 =	sshll.u32 s9, $0x1;
	s6 =	sadd.s32 s19, s18  }
0xa4: {  	s10 =	simm.s32 $0x0;
	s20 =	sshll.u32 s8, $0x1;
	s8 =	sadd.s32 s21, s6  }
0xa5: {  	[timem:s10], [sflag:s22] =	dma.local [hbm:s8], s20  }
0xa6: {  	_ =	swait.ge [sflag:s22], s20  }
0xa7: {  	s7 =	ssub.s32 $0x0, s20;
	[sflag:s22] =	ssyncset.done $0x0  }
0xa8: {  	[sflag:s22] =	ssyncadd.s32 s7;
	_ =	sdelay $0x1  }
0xa9: {  	s23 =	simm.s32 $0x1B8B  }
0xaa: {  	_ =	swait.ge [sflag:s23], $0x1  }
0xab: {  	[sflag:s23] =	ssyncset.done $0x0  }
0xac: {  	s25 =	simm.s32 $0x1B8E;
	s24 =	sld [smem:$0x3FFE];
	[sflag:s23] =	ssyncadd.s32 $0xFFFFFFFF  }
0xad: {  	s26 =	simm.s32 $execute0_lowered;
	[smem:$0x3FD2] =	sst s25  }
0xae: {  	s8 =	sshll.u32 s26, $0x1;
	_ =	strace $0x80000046;
	[dreg:$0x1] =	wrdreg $0xFFFFFFFF  }
0xaf: {  	s28 =	simm.s32 $_size_execute0_lowered;
	s6 =	sadd.s32 s6, s8;
	[dreg:$0x0] =	wrdreg $0x0  }
0xb0: {  	s8 =	sshll.u32 s28, $0x1;
	[dreg:$0x2] =	wrdreg s6  }
0xb1: {  	[dreg:$0x3] =	wrdreg s8  }
0xb2: {  	[dreg:$0x4] =	wrdreg $0xC0  }
0xb3: {  	_ =	task [dreg:s10], $0x5FFFF  }
0xb4: {  	[dreg:$0x1] =	wrdreg $0xFFFFFFFF  }
0xb5: {  	[dreg:$0x0] =	wrdreg $0x60  }
0xb6: {  	[dreg:$0x2] =	wrdreg s5  }
0xb7: {  	[dreg:$0x3] =	wrdreg s15  }
0xb8: {  	[dreg:$0x4] =	wrdreg s4  }
0xb9: {  	[dreg:$0x5] =	wrdreg s16  }
0xba: {  	[dreg:$0x6] =	wrdreg s24  }
0xbb: {  	[dreg:$0x7] =	wrdreg $0x9  }
0xbc: {  	_ =	task.clear_ibuf [dreg:s10], $0x8FFFF;
	_ =	strace $0x90000046  }
0xbd: {  	s29 =	simm.s32 $0x9;
	_ =	strace $0x80000048  }
0xbe: {  	_ =	swait.ge [sflag:s29], $0x1  }
0xbf: {  	[sflag:s29] =	ssyncadd.s32 $0xFFFFFFFF  }
0xc0: {  	_ =	strace $0x90000048  }
0xc1: {  	_ =	sfence  }
0xc2: {  	s30 =	sld [smem:$0x0];
	_ =	sdelay $0x2  }
0xc3: {  	s31 =	sshll.u32 s1, $0xD;
	s1 =	sshrl.u32 s1, $0x2  }
0xc4: {  	s3 =	sand.u32 $0x4000, s31;
	s1 =	sadd.s32 s1, s30  }
0xc5: {  	s0 =	sor.u32 s3, s0;
	s1 =	sshll.u32 s1, $0x11  }
0xc6: {  	s0 =	sor.u32 s1, s0  }
0xc7: {  	s0 =	sadd.s32 $0x8F2B, s0  }
0xc8: {  	[sflag:s0] =	ssyncadd.remote.s32 $0x1  }
0xc9: {  	_ =	sfence.sel $0xFFFF  }
0xca: {  	[dreg:$0x0] =	wrdreg $0xFFFFFFFF;
	(pc) =	sbr.abs _section_cstart, $3  }
0xcb: {  	[dreg:$0x1] =	wrdreg $0xFFFFFFFF  }
0xcc: {  	_ =	task.clear_ibuf [dreg:s10], $0x2FFFF;
	_ =	strace $0x9FFFFFFF  }
0xcd: {  	(tm) =	ssettm $0x7FFFFFFF  }
tec
execute0_lowered:
.L_overlay_start_1:
0x0: {  	(tag) =	ssettag $0x1  }
0x1: {  	s1 =	rddreg [dreg:$0x0]  }
0x2: {  	s0 =	rddreg [dreg:$0x1]  }
0x3: {  	s2 =	rddreg [dreg:$0x2]  }
0x4: {  	s16 =	rddreg [dreg:$0x3]  }
0x5: {  	s3 =	rddreg [dreg:$0x4];
	s5 =	srdreg.scid  }
0x6: {  	s10 =	stileid.u32;
	s4 =	simm.s32 $0x0;
	s21 =	simm.s32 $0x10800  }
0x7: {  	s23 =	simm.s32 $0x11000;
	s24 =	simm.s32 $0x11800;
	s26 =	simm.s32 $0x12000  }
0x8: {  	s31 =	simm.s32 $0x4000;
	s28 =	simm.s32 $0x7;
	s29 =	simm.s32 $0x4  }
0x9: {  	s30 =	simm.s32 $0x8;
	s5 =	sand.u32 $0x1, s5;
	s6 =	sshll.u32 s10, $0x1  }
0xa: {  	[smem:$0x7FF] =	sst s4;
	s12 =	sshll.u32 s10, $0x3;
	s13 =	sshll.u32 s10, $0x13  }
0xb: {  	s10 =	sadd.s32 $0x800, s1;
	_ =	strace $0x80000047;
	[dreg:$0xa] =	wrdreg s21  }
0xc: {  	s11 =	sadd.s32 $0xA00, s1;
	s14 =	sor.u32 s5, s6;
	[dreg:$0xb] =	wrdreg s23  }
0xd: {  	s7 =	ssub.s32 $0x2, s5;
	s6 =	sand.u32 $0x70, s12;
	[dreg:$0xc] =	wrdreg s24  }
0xe: {  	s5 =	sshll.u32 s5, $0x12;
	s12 =	sadd.s32 $0xC00, s1;
	[dreg:$0xd] =	wrdreg s26  }
0xf: {  	s21 =	simm.s32 $0x15000;
	s23 =	simm.s32 $0x16000;
	s24 =	simm.s32 $0x16800  }
0x10: {  	s26 =	simm.s32 $0x17800;
	s8 =	sshll.u32 s14, $0x9;
	[dreg:$0x12] =	wrdreg s21  }
0x11: {  	s9 =	sshrl.u32 s7, $0x1;
	s0 =	sadd.s32 s0, s6;
	[dreg:$0x14] =	wrdreg s23  }
0x12: {  	s6 =	sadd.s32 $0x200, s1;
	s19 =	sshll.u32 s14, $0x6;
	[dreg:$0x15] =	wrdreg s24  }
0x13: {  	s22 =	sshll.u32 s14, $0x12;
	[dreg:$0x17] =	wrdreg s26;
	s21 =	simm.s32 $0x1800  }
0x14: {  	s8 =	sand.u32 $0x600, s8;
	s15 =	ssub.s32 s7, s9;
	s2 =	sadd.s32 s2, s19  }
0x15: {  	s9 =	sor.u32 s5, s13;
	s5 =	simm.s32 $0x12800;
	[dreg:$0x19] =	wrdreg s2  }
0x16: {  	s23 =	simm.s32 $0x10000;
	s0 =	sadd.s32 s8, s0;
	[dreg:$0xe] =	wrdreg s5  }
0x17: {  	s24 =	simm.s32 $0x2;
	s17 =	sor.u32 $0x1000, s9;
	[dreg:$0x18] =	wrdreg s0  }
0x18: {  	s26 =	simm.s32 $0x3;
	s18 =	sor.u32 $0x2040, s9;
	[dreg:$0x7] =	wrdreg s17  }
0x19: {  	s7 =	sadd.s32 $0x400, s1;
	s20 =	sor.u32 $0x2000, s9;
	[dreg:$0x8] =	wrdreg s18  }
0x1a: {  	s13 =	sadd.s32 $0xE00, s1;
	s19 =	smax.u32 s15, $0x1;
	[dreg:$0x9] =	wrdreg s20  }
0x1b: {  	s2 =	sadd.s32 s22, s16;
	s22 =	simm.s32 $0x15800;
	[dreg:$0x1d] =	wrdreg s19  }
0x1c: {  	s8 =	sadd.s32 $0x600, s1;
	s0 =	sor.u32 $0x1040, s9;
	[dreg:$0x13] =	wrdreg s22  }
0x1d: {  	s16 =	sshll.u32 s14, $0x4;
	s25 =	sadd.s32 $0x3F000, s2;
	[dreg:$0x6] =	wrdreg s0  }
0x1e: {  	s15 =	simm.s32 $0xD;
	s2 =	sadd.s32 $0x3F040, s2;
	[dreg:$0x1a] =	wrdreg s25  }
0x1f: {  	s5 =	simm.s32 $0x0;
	s17 =	simm.s32 $0x13000;
	[dreg:$0x1b] =	wrdreg s2  }
0x20: {  	v1 =	vlaneseq.u32;
	s18 =	simm.s32 $0x13800;
	s20 =	simm.s32 $0x14800;
	[dreg:$0xf] =	wrdreg s17  }
0x21: {  	v0 =	vand.u32 $0x3, v1;
	s19 =	simm.s32 $0x1000;
	s22 =	simm.s32 $0x200;
	[dreg:$0x10] =	wrdreg s18  }
0x22: {  	vm0 =	vmmov $0xffff;
	v2 =	vshrl.u32 v1, $0x2;
	v1 =	vmul.u32 $0x80, v0;
	s2 =	sadd.s32 s3, s16;
	[dreg:$0x11] =	wrdreg s20;
	s20 =	simm.s32 $0x400  }
0x23: {  	vm1 =	vmmov $0xf;
	v2 =	vmul.u32 $0x8, v2;
	v8 =	vor.u32 $0x1F8, v0;
	s16 =	simm.s32 $0x800;
	s25 =	simm.s32 $0x17000;
	s17 =	simm.s32 $0x18200  }
0x24: {  	v9 =	vor.u32 $0x1FC, v0;
	v3 =	vor.u32 $0x4000, v1;
	v4 =	vor.u32 $0x8000, v1;
	s18 =	simm.s32 $0x1;
	s0 =	simm.s32 $0x5;
	[dreg:$0x1c] =	wrdreg s2  }
0x25: {  	v5 =	vor.u32 $0xC000, v1;
	v6 =	vor.u32 $0x10000, v1;
	v7 =	vor.u32 $0x14000, v1;
	[dreg:$0x16] =	wrdreg s25;
	s25 =	simm.s32 $0x14000;
	s2 =	simm.s32 $0x6  }
.LBB2_1:
0x26: {  	[dreg:$0x1e] =	wrdreg s5  }
0x27: {  	s3 =	rddreg [dreg:$0x18];
	s5 =	simm.s32 $0x80;
	s14 =	simm.s32 $0x18000  }
0x28: {  	[tilespmem:s14], [sflag:$0xD] =	stream.strided.gather [hbm4b:s3+s5], $0x200, s20, s5, $0x38;
	[tilespmem:$0x18480] =	vst v63  }
0x29: {  	_ =	swait.ge [sflag:s15], $0x200  }
0x2a: {  	[sflag:s15] =	ssyncset.done $0x0  }
0x2b: {  	[sflag:s15] =	ssyncadd.s32 $0xFFFFFE00  }
0x2c: {  	v10 =	vld.msk [tilespmem:$0x18000], $0xf;
	_ =	sdelay $0x4  }
0x2d: {  	v11 =	vshll.u32 v10, $0x5  }
0x2e: {  	v10 =	vand.u32 $0x7, v10;
	v11 =	vand.u32 $0xFFFFFF00, v11  }
0x2f: {  	v10 =	vor.u32 v10, v11  }
0x30: {  	v10 =	vperm.xlane v10, v0;
	_ =	sdelay $0x1  }
0x31: {  	v10 =	vadd.s32 v2, v10;
	_ =	sdelay $0x4  }
0x32: {  	[tilespmem:s4], [sflag:$0x1] =	stream.indirect_vreg.gather [hbm4b:s1+s4], $0x80, v10, vm0, $0xb8;
	[tilespmem:$0x18480] =	vst v63  }
0x33: {  	_ = 	snop  }
0x34: {  	[tilespmem:s16], [sflag:$0x1] =	stream.indirect_vreg.gather [hbm4b:s6+s4], $0x80, v10, vm0, $0xb8;
	[tilespmem:$0x18480] =	vst v63  }
0x35: {  	_ = 	snop  }
0x36: {  	[tilespmem:s19], [sflag:$0x1] =	stream.indirect_vreg.gather [hbm4b:s7+s4], $0x80, v10, vm0, $0xb8;
	[tilespmem:$0x18480] =	vst v63  }
0x37: {  	_ = 	snop  }
0x38: {  	[tilespmem:s21], [sflag:$0x1] =	stream.indirect_vreg.gather [hbm4b:s8+s4], $0x80, v10, vm0, $0xb8;
	[tilespmem:$0x18480] =	vst v63  }
0x39: {  	s16 =	simm.s32 $0x2000  }
0x3a: {  	[tilespmem:s16], [sflag:$0x1] =	stream.indirect_vreg.gather [hbm4b:s10+s4], $0x80, v10, vm0, $0xb8;
	[tilespmem:$0x18480] =	vst v63  }
0x3b: {  	s19 =	simm.s32 $0x2800  }
0x3c: {  	[tilespmem:s19], [sflag:$0x1] =	stream.indirect_vreg.gather [hbm4b:s11+s4], $0x80, v10, vm0, $0xb8;
	[tilespmem:$0x18480] =	vst v63  }
0x3d: {  	s21 =	simm.s32 $0x3000  }
0x3e: {  	[tilespmem:s21], [sflag:$0x1] =	stream.indirect_vreg.gather [hbm4b:s12+s4], $0x80, v10, vm0, $0xb8;
	[tilespmem:$0x18480] =	vst v63  }
0x3f: {  	s5 =	simm.s32 $0x3800  }
0x40: {  	[tilespmem:s5], [sflag:$0x1] =	stream.indirect_vreg.gather [hbm4b:s13+s4], $0x80, v10, vm0, $0xb8;
	[tilespmem:$0x18480] =	vst v63  }
0x41: {  	v10 =	vld.msk [tilespmem:$0x18004], $0xf;
	_ =	sdelay $0x4  }
0x42: {  	v11 =	vshll.u32 v10, $0x5  }
0x43: {  	v10 =	vand.u32 $0x7, v10;
	v11 =	vand.u32 $0xFFFFFF00, v11  }
0x44: {  	v10 =	vor.u32 v10, v11  }
0x45: {  	v10 =	vperm.xlane v10, v0;
	_ =	sdelay $0x1  }
0x46: {  	v10 =	vadd.s32 v2, v10;
	_ =	sdelay $0x4  }
0x47: {  	[tilespmem:s31], [sflag:$0x2] =	stream.indirect_vreg.gather [hbm4b:s1+s4], $0x80, v10, vm0, $0xb8;
	[tilespmem:$0x18480] =	vst v63  }
0x48: {  	s14 =	simm.s32 $0x4800  }
0x49: {  	[tilespmem:s14], [sflag:$0x2] =	stream.indirect_vreg.gather [hbm4b:s6+s4], $0x80, v10, vm0, $0xb8;
	[tilespmem:$0x18480] =	vst v63  }
0x4a: {  	s16 =	simm.s32 $0x5000  }
0x4b: {  	[tilespmem:s16], [sflag:$0x2] =	stream.indirect_vreg.gather [hbm4b:s7+s4], $0x80, v10, vm0, $0xb8;
	[tilespmem:$0x18480] =	vst v63  }
0x4c: {  	s19 =	simm.s32 $0x5800  }
0x4d: {  	[tilespmem:s19], [sflag:$0x2] =	stream.indirect_vreg.gather [hbm4b:s8+s4], $0x80, v10, vm0, $0xb8;
	[tilespmem:$0x18480] =	vst v63  }
0x4e: {  	s21 =	simm.s32 $0x6000  }
0x4f: {  	[tilespmem:s21], [sflag:$0x2] =	stream.indirect_vreg.gather [hbm4b:s10+s4], $0x80, v10, vm0, $0xb8;
	[tilespmem:$0x18480] =	vst v63  }
0x50: {  	s5 =	simm.s32 $0x6800  }
0x51: {  	[tilespmem:s5], [sflag:$0x2] =	stream.indirect_vreg.gather [hbm4b:s11+s4], $0x80, v10, vm0, $0xb8;
	[tilespmem:$0x18480] =	vst v63  }
0x52: {  	s14 =	simm.s32 $0x7000  }
0x53: {  	[tilespmem:s14], [sflag:$0x2] =	stream.indirect_vreg.gather [hbm4b:s12+s4], $0x80, v10, vm0, $0xb8;
	[tilespmem:$0x18480] =	vst v63  }
0x54: {  	s16 =	simm.s32 $0x7800  }
0x55: {  	[tilespmem:s16], [sflag:$0x2] =	stream.indirect_vreg.gather [hbm4b:s13+s4], $0x80, v10, vm0, $0xb8;
	[tilespmem:$0x18480] =	vst v63  }
0x56: {  	v10 =	vld.msk [tilespmem:$0x18008], $0xf;
	_ =	sdelay $0x4  }
0x57: {  	v11 =	vshll.u32 v10, $0x5  }
0x58: {  	v10 =	vand.u32 $0x7, v10;
	v11 =	vand.u32 $0xFFFFFF00, v11  }
0x59: {  	v10 =	vor.u32 v10, v11  }
0x5a: {  	v10 =	vperm.xlane v10, v0;
	_ =	sdelay $0x1  }
0x5b: {  	v10 =	vadd.s32 v2, v10;
	_ =	sdelay $0x3  }
0x5c: {  	s19 =	simm.s32 $0x8000  }
0x5d: {  	[tilespmem:s19], [sflag:$0x3] =	stream.indirect_vreg.gather [hbm4b:s1+s4], $0x80, v10, vm0, $0xb8;
	[tilespmem:$0x18480] =	vst v63  }
0x5e: {  	s21 =	simm.s32 $0x8800  }
0x5f: {  	[tilespmem:s21], [sflag:$0x3] =	stream.indirect_vreg.gather [hbm4b:s6+s4], $0x80, v10, vm0, $0xb8;
	[tilespmem:$0x18480] =	vst v63  }
0x60: {  	s5 =	simm.s32 $0x9000  }
0x61: {  	[tilespmem:s5], [sflag:$0x3] =	stream.indirect_vreg.gather [hbm4b:s7+s4], $0x80, v10, vm0, $0xb8;
	[tilespmem:$0x18480] =	vst v63  }
0x62: {  	s14 =	simm.s32 $0x9800  }
0x63: {  	[tilespmem:s14], [sflag:$0x3] =	stream.indirect_vreg.gather [hbm4b:s8+s4], $0x80, v10, vm0, $0xb8;
	[tilespmem:$0x18480] =	vst v63  }
0x64: {  	s16 =	simm.s32 $0xA000  }
0x65: {  	[tilespmem:s16], [sflag:$0x3] =	stream.indirect_vreg.gather [hbm4b:s10+s4], $0x80, v10, vm0, $0xb8;
	[tilespmem:$0x18480] =	vst v63  }
0x66: {  	s19 =	simm.s32 $0xA800  }
0x67: {  	[tilespmem:s19], [sflag:$0x3] =	stream.indirect_vreg.gather [hbm4b:s11+s4], $0x80, v10, vm0, $0xb8;
	[tilespmem:$0x18480] =	vst v63  }
0x68: {  	s21 =	simm.s32 $0xB000  }
0x69: {  	[tilespmem:s21], [sflag:$0x3] =	stream.indirect_vreg.gather [hbm4b:s12+s4], $0x80, v10, vm0, $0xb8;
	[tilespmem:$0x18480] =	vst v63  }
0x6a: {  	s5 =	simm.s32 $0xB800  }
0x6b: {  	[tilespmem:s5], [sflag:$0x3] =	stream.indirect_vreg.gather [hbm4b:s13+s4], $0x80, v10, vm0, $0xb8;
	[tilespmem:$0x18480] =	vst v63  }
0x6c: {  	v10 =	vld.msk [tilespmem:$0x1800C], $0xf;
	_ =	sdelay $0x4  }
0x6d: {  	v11 =	vshll.u32 v10, $0x5  }
0x6e: {  	v10 =	vand.u32 $0x7, v10;
	v11 =	vand.u32 $0xFFFFFF00, v11  }
0x6f: {  	v10 =	vor.u32 v10, v11  }
0x70: {  	v10 =	vperm.xlane v10, v0;
	_ =	sdelay $0x1  }
0x71: {  	v10 =	vadd.s32 v2, v10;
	_ =	sdelay $0x3  }
0x72: {  	s14 =	simm.s32 $0xC000  }
0x73: {  	[tilespmem:s14], [sflag:$0x4] =	stream.indirect_vreg.gather [hbm4b:s1+s4], $0x80, v10, vm0, $0xb8;
	[tilespmem:$0x18480] =	vst v63  }
0x74: {  	s16 =	simm.s32 $0xC800  }
0x75: {  	[tilespmem:s16], [sflag:$0x4] =	stream.indirect_vreg.gather [hbm4b:s6+s4], $0x80, v10, vm0, $0xb8;
	[tilespmem:$0x18480] =	vst v63  }
0x76: {  	s19 =	simm.s32 $0xD000  }
0x77: {  	[tilespmem:s19], [sflag:$0x4] =	stream.indirect_vreg.gather [hbm4b:s7+s4], $0x80, v10, vm0, $0xb8;
	[tilespmem:$0x18480] =	vst v63  }
0x78: {  	s21 =	simm.s32 $0xD800  }
0x79: {  	[tilespmem:s21], [sflag:$0x4] =	stream.indirect_vreg.gather [hbm4b:s8+s4], $0x80, v10, vm0, $0xb8;
	[tilespmem:$0x18480] =	vst v63  }
0x7a: {  	s5 =	simm.s32 $0xE000  }
0x7b: {  	[tilespmem:s5], [sflag:$0x4] =	stream.indirect_vreg.gather [hbm4b:s10+s4], $0x80, v10, vm0, $0xb8;
	[tilespmem:$0x18480] =	vst v63  }
0x7c: {  	s14 =	simm.s32 $0xE800  }
0x7d: {  	[tilespmem:s14], [sflag:$0x4] =	stream.indirect_vreg.gather [hbm4b:s11+s4], $0x80, v10, vm0, $0xb8;
	[tilespmem:$0x18480] =	vst v63  }
0x7e: {  	s16 =	simm.s32 $0xF000  }
0x7f: {  	[tilespmem:s16], [sflag:$0x4] =	stream.indirect_vreg.gather [hbm4b:s12+s4], $0x80, v10, vm0, $0xb8;
	[tilespmem:$0x18480] =	vst v63  }
0x80: {  	s19 =	simm.s32 $0xF800  }
0x81: {  	[tilespmem:s19], [sflag:$0x4] =	stream.indirect_vreg.gather [hbm4b:s13+s4], $0x80, v10, vm0, $0xb8;
	[tilespmem:$0x18480] =	vst v63  }
0x82: {  	s21 =	rddreg [dreg:$0x19]  }
0x83: {  	[tilespmem:s17], [sflag:$0xD] =	stream.linear.gather [hbm4b:s21+s4], $0x200, $0x38;
	[tilespmem:$0x18480] =	vst v63  }
0x84: {  	_ =	swait.ge [sflag:s15], $0x200  }
0x85: {  	[sflag:s15] =	ssyncset.done $0x0  }
0x86: {  	s3 =	simm.s32 $0x18014;
	[sflag:s15] =	ssyncadd.s32 $0xFFFFFE00  }
0x87: {  	s16 =	simm.s32 $0x1800;
	v10 =	vimm.f32 $0.0e+00;
	s21 =	simm.s32 $0x0;
	s19 =	rddreg [dreg:$0x3]  }
.LBB2_2:
0x88: {  	_ =	swait.ge [sflag:s18], $0x4000  }
0x89: {  	p0 =	seq.s32 s21, $0x0;
	[sflag:s18] =	ssyncset.done $0x0  }
0x8a: {  	s5 =	sadd.s32 s19, s9;
	s14 =	simm.s32 @!p0 $0xB;
	[sflag:s18] =	ssyncadd.s32 $0xFFFFC000  }
0x8b: {  	[hbm4b:s5+s22] =	stream.strided.scatter [tilespmem:s4], [sflag:$0x7], $0x4000, s20, s22, $0x38;
	[tilespmem:$0x18480] =	vst v63  }
0x8c: {  	_ =	swait.ge @!p0 [sflag:s14], $0x4000  }
0x8d: {  	[sflag:s14] =	ssyncset.done @!p0 $0x0  }
0x8e: {  	[sflag:s14] =	ssyncadd.s32 @!p0 $0xFFFFC000  }
0x8f: {  	v11 =	vld.msk [tilespmem:s3+$0xFFFFFFFC], $0xf;
	_ =	sdelay $0x4  }
0x90: {  	v12 =	vshll.u32 v11, $0x5  }
0x91: {  	v11 =	vand.u32 $0x7, v11;
	v12 =	vand.u32 $0xFFFFFF00, v12  }
0x92: {  	v11 =	vor.u32 v11, v12  }
0x93: {  	v11 =	vperm.xlane v11, v0;
	_ =	sdelay $0x1  }
0x94: {  	v11 =	vadd.s32 v2, v11;
	_ =	sdelay $0x4  }
0x95: {  	[tilespmem:s23], [sflag:$0x5] =	stream.indirect_vreg.gather [hbm4b:s1+s4], $0x80, v11, vm0, $0xb8;
	[tilespmem:$0x18480] =	vst v63  }
0x96: {  	s14 =	rddreg [dreg:$0xa]  }
0x97: {  	[tilespmem:s14], [sflag:$0x5] =	stream.indirect_vreg.gather [hbm4b:s6+s4], $0x80, v11, vm0, $0xb8;
	[tilespmem:$0x18480] =	vst v63  }
0x98: {  	s15 =	rddreg [dreg:$0xb]  }
0x99: {  	[tilespmem:s15], [sflag:$0x5] =	stream.indirect_vreg.gather [hbm4b:s7+s4], $0x80, v11, vm0, $0xb8;
	[tilespmem:$0x18480] =	vst v63  }
0x9a: {  	s14 =	rddreg [dreg:$0xc]  }
0x9b: {  	[tilespmem:s14], [sflag:$0x5] =	stream.indirect_vreg.gather [hbm4b:s8+s4], $0x80, v11, vm0, $0xb8;
	[tilespmem:$0x18480] =	vst v63  }
0x9c: {  	s15 =	rddreg [dreg:$0xd]  }
0x9d: {  	[tilespmem:s15], [sflag:$0x5] =	stream.indirect_vreg.gather [hbm4b:s10+s4], $0x80, v11, vm0, $0xb8;
	[tilespmem:$0x18480] =	vst v63  }
0x9e: {  	s14 =	rddreg [dreg:$0xe]  }
0x9f: {  	v54 =	vor.u32 s21, v0;
	[tilespmem:s14], [sflag:$0x5] =	stream.indirect_vreg.gather [hbm4b:s11+s4], $0x80, v11, vm0, $0xb8;
	[tilespmem:$0x18480] =	vst v63  }
0xa0: {  	s15 =	rddreg [dreg:$0xf]  }
0xa1: {  	[tilespmem:s15], [sflag:$0x5] =	stream.indirect_vreg.gather [hbm4b:s12+s4], $0x80, v11, vm0, $0xb8;
	[tilespmem:$0x18480] =	vst v63  }
0xa2: {  	s14 =	rddreg [dreg:$0x10]  }
0xa3: {  	[tilespmem:s14], [sflag:$0x5] =	stream.indirect_vreg.gather [hbm4b:s13+s4], $0x80, v11, vm0, $0xb8;
	[tilespmem:$0x18480] =	vst v63  }
0xa4: {  	v11 =	vld.idx.msk [tilespmem:v54+s17+$0x0], $0xffff;
	_ =	sdelay $0x4  }
0xa5: {  	v12 =	vshll.u32 v11, $0x2  }
0xa6: {  	v11 =	vand.u32 $0x7F, v11;
	v12 =	vand.u32 $0xFFFFFE00, v12  }
0xa7: {  	v11 =	vor.u32 v12, v11  }
0xa8: {  	v11 =	vor.u32 v1, v11;
	_ =	sdelay $0x4  }
0xa9: {  	v11 =	vld.idx.msk [tilespmem:v11+s4+$0x0], $0xffff;
	_ =	swait.ge [sflag:s24], $0x4000  }
0xaa: {  	[sflag:s24] =	ssyncset.done $0x0  }
0xab: {  	s5 =	sadd.s32 $0x40, s5;
	[sflag:s24] =	ssyncadd.s32 $0xFFFFC000  }
0xac: {  	[hbm4b:s5+s22] =	stream.strided.scatter [tilespmem:s31], [sflag:$0x8], $0x4000, s20, s22, $0x38;
	[tilespmem:$0x18480] =	vst v63  }
0xad: {  	s5 =	simm.s32 @!p0 $0xC  }
0xae: {  	_ =	swait.ge @!p0 [sflag:s5], $0x4000  }
0xaf: {  	[sflag:s5] =	ssyncset.done @!p0 $0x0  }
0xb0: {  	[sflag:s5] =	ssyncadd.s32 @!p0 $0xFFFFC000  }
0xb1: {  	v55 =	vld.msk [tilespmem:s3+$0x0], $0xf;
	_ =	sdelay $0x4  }
0xb2: {  	v13 =	vshll.u32 v55, $0x5  }
0xb3: {  	v12 =	vand.u32 $0x7, v55;
	v13 =	vand.u32 $0xFFFFFF00, v13  }
0xb4: {  	v12 =	vor.u32 v12, v13  }
0xb5: {  	v12 =	vperm.xlane v12, v0;
	_ =	sdelay $0x1  }
0xb6: {  	v12 =	vadd.s32 v2, v12;
	_ =	sdelay $0x4  }
0xb7: {  	[tilespmem:s25], [sflag:$0x6] =	stream.indirect_vreg.gather [hbm4b:s1+s4], $0x80, v12, vm0, $0xb8;
	[tilespmem:$0x18480] =	vst v63  }
0xb8: {  	s14 =	rddreg [dreg:$0x11]  }
0xb9: {  	[tilespmem:s14], [sflag:$0x6] =	stream.indirect_vreg.gather [hbm4b:s6+s4], $0x80, v12, vm0, $0xb8;
	[tilespmem:$0x18480] =	vst v63  }
0xba: {  	s15 =	rddreg [dreg:$0x12]  }
0xbb: {  	[tilespmem:s15], [sflag:$0x6] =	stream.indirect_vreg.gather [hbm4b:s7+s4], $0x80, v12, vm0, $0xb8;
	[tilespmem:$0x18480] =	vst v63  }
0xbc: {  	s5 =	rddreg [dreg:$0x13]  }
0xbd: {  	[tilespmem:s5], [sflag:$0x6] =	stream.indirect_vreg.gather [hbm4b:s8+s4], $0x80, v12, vm0, $0xb8;
	[tilespmem:$0x18480] =	vst v63  }
0xbe: {  	s15 =	rddreg [dreg:$0x14]  }
0xbf: {  	[tilespmem:s15], [sflag:$0x6] =	stream.indirect_vreg.gather [hbm4b:s10+s4], $0x80, v12, vm0, $0xb8;
	[tilespmem:$0x18480] =	vst v63  }
0xc0: {  	s14 =	sadd.s32 $0x4, s21;
	s5 =	rddreg [dreg:$0x15]  }
0xc1: {  	v56 =	vor.u32 s14, v0;
	[tilespmem:s5], [sflag:$0x6] =	stream.indirect_vreg.gather [hbm4b:s11+s4], $0x80, v12, vm0, $0xb8;
	[tilespmem:$0x18480] =	vst v63  }
0xc2: {  	s15 =	rddreg [dreg:$0x16]  }
0xc3: {  	[tilespmem:s15], [sflag:$0x6] =	stream.indirect_vreg.gather [hbm4b:s12+s4], $0x80, v12, vm0, $0xb8;
	[tilespmem:$0x18480] =	vst v63  }
0xc4: {  	s14 =	rddreg [dreg:$0x17]  }
0xc5: {  	[tilespmem:s14], [sflag:$0x6] =	stream.indirect_vreg.gather [hbm4b:s13+s4], $0x80, v12, vm0, $0xb8;
	[tilespmem:$0x18480] =	vst v63  }
0xc6: {  	v12 =	vld.idx.msk [tilespmem:v56+s17+$0x0], $0xffff;
	_ =	sdelay $0x4  }
0xc7: {  	v13 =	vshll.u32 v12, $0x2  }
0xc8: {  	v12 =	vand.u32 $0x7F, v12;
	v13 =	vand.u32 $0xFFFFFE00, v13  }
0xc9: {  	v12 =	vor.u32 v12, v13  }
0xca: {  	v12 =	vadd.s32 v3, v12;
	_ =	sdelay $0x4  }
0xcb: {  	v12 =	vld.idx.msk [tilespmem:v12+s4+$0x0], $0xffff;
	_ =	swait.ge [sflag:s26], $0x4000  }
0xcc: {  	s14 =	rddreg [dreg:$0x7];
	[sflag:s26] =	ssyncset.done $0x0  }
0xcd: {  	s15 =	simm.s32 $0x8000;
	[sflag:s26] =	ssyncadd.s32 $0xFFFFC000;
	s5 =	sadd.s32 s19, s14  }
0xce: {  	[hbm4b:s5+s22] =	stream.strided.scatter [tilespmem:s15], [sflag:$0x9], $0x4000, s20, s22, $0x38;
	[tilespmem:$0x18480] =	vst v63  }
0xcf: {  	_ =	swait.ge [sflag:s28], $0x4000  }
0xd0: {  	[sflag:s28] =	ssyncset.done $0x0  }
0xd1: {  	[sflag:s28] =	ssyncadd.s32 $0xFFFFC000  }
0xd2: {  	v57 =	vld.msk [tilespmem:s3+$0x4], $0xf;
	_ =	sdelay $0x4  }
0xd3: {  	v14 =	vshll.u32 v57, $0x5  }
0xd4: {  	v13 =	vand.u32 $0x7, v57;
	v14 =	vand.u32 $0xFFFFFF00, v14  }
0xd5: {  	v13 =	vor.u32 v13, v14  }
0xd6: {  	v13 =	vperm.xlane v13, v0;
	_ =	sdelay $0x1  }
0xd7: {  	v13 =	vadd.s32 v2, v13;
	_ =	sdelay $0x4  }
0xd8: {  	[tilespmem:s4], [sflag:$0x1] =	stream.indirect_vreg.gather [hbm4b:s1+s4], $0x80, v13, vm0, $0xb8;
	[tilespmem:$0x18480] =	vst v63  }
0xd9: {  	s14 =	simm.s32 $0x800  }
0xda: {  	[tilespmem:s14], [sflag:$0x1] =	stream.indirect_vreg.gather [hbm4b:s6+s4], $0x80, v13, vm0, $0xb8;
	[tilespmem:$0x18480] =	vst v63  }
0xdb: {  	s15 =	simm.s32 $0x1000  }
0xdc: {  	[tilespmem:s15], [sflag:$0x1] =	stream.indirect_vreg.gather [hbm4b:s7+s4], $0x80, v13, vm0, $0xb8;
	[tilespmem:$0x18480] =	vst v63  }
0xdd: {  	_ = 	snop  }
0xde: {  	[tilespmem:s16], [sflag:$0x1] =	stream.indirect_vreg.gather [hbm4b:s8+s4], $0x80, v13, vm0, $0xb8;
	[tilespmem:$0x18480] =	vst v63  }
0xdf: {  	s14 =	simm.s32 $0x2000  }
0xe0: {  	[tilespmem:s14], [sflag:$0x1] =	stream.indirect_vreg.gather [hbm4b:s10+s4], $0x80, v13, vm0, $0xb8;
	[tilespmem:$0x18480] =	vst v63  }
0xe1: {  	s5 =	sadd.s32 $0x8, s21;
	s15 =	simm.s32 $0x2800  }
0xe2: {  	v58 =	vor.u32 s5, v0;
	[tilespmem:s15], [sflag:$0x1] =	stream.indirect_vreg.gather [hbm4b:s11+s4], $0x80, v13, vm0, $0xb8;
	[tilespmem:$0x18480] =	vst v63  }
0xe3: {  	s14 =	simm.s32 $0x3000  }
0xe4: {  	[tilespmem:s14], [sflag:$0x1] =	stream.indirect_vreg.gather [hbm4b:s12+s4], $0x80, v13, vm0, $0xb8;
	[tilespmem:$0x18480] =	vst v63  }
0xe5: {  	s15 =	simm.s32 $0x3800  }
0xe6: {  	[tilespmem:s15], [sflag:$0x1] =	stream.indirect_vreg.gather [hbm4b:s13+s4], $0x80, v13, vm0, $0xb8;
	[tilespmem:$0x18480] =	vst v63  }
0xe7: {  	v13 =	vld.idx.msk [tilespmem:v58+s17+$0x0], $0xffff;
	_ =	sdelay $0x4  }
0xe8: {  	v14 =	vshll.u32 v13, $0x2  }
0xe9: {  	v13 =	vand.u32 $0x7F, v13;
	v14 =	vand.u32 $0xFFFFFE00, v14  }
0xea: {  	v13 =	vor.u32 v13, v14  }
0xeb: {  	v13 =	vadd.s32 v4, v13;
	_ =	sdelay $0x4  }
0xec: {  	v13 =	vld.idx.msk [tilespmem:v13+s4+$0x0], $0xffff;
	_ =	swait.ge [sflag:s29], $0x4000  }
0xed: {  	s14 =	rddreg [dreg:$0x6];
	[sflag:s29] =	ssyncset.done $0x0  }
0xee: {  	s15 =	simm.s32 $0xC000;
	[sflag:s29] =	ssyncadd.s32 $0xFFFFC000;
	s5 =	sadd.s32 s19, s14  }
0xef: {  	[hbm4b:s5+s22] =	stream.strided.scatter [tilespmem:s15], [sflag:$0xA], $0x4000, s20, s22, $0x38;
	[tilespmem:$0x18480] =	vst v63  }
0xf0: {  	_ =	swait.ge [sflag:s30], $0x4000  }
0xf1: {  	[sflag:s30] =	ssyncset.done $0x0  }
0xf2: {  	[sflag:s30] =	ssyncadd.s32 $0xFFFFC000  }
0xf3: {  	v59 =	vld.msk [tilespmem:s3+$0x8], $0xf;
	_ =	sdelay $0x4  }
0xf4: {  	v15 =	vshll.u32 v59, $0x5  }
0xf5: {  	v14 =	vand.u32 $0x7, v59;
	v15 =	vand.u32 $0xFFFFFF00, v15  }
0xf6: {  	v14 =	vor.u32 v14, v15  }
0xf7: {  	v14 =	vperm.xlane v14, v0;
	_ =	sdelay $0x1  }
0xf8: {  	v14 =	vadd.s32 v2, v14;
	_ =	sdelay $0x4  }
0xf9: {  	[tilespmem:s31], [sflag:$0x2] =	stream.indirect_vreg.gather [hbm4b:s1+s4], $0x80, v14, vm0, $0xb8;
	[tilespmem:$0x18480] =	vst v63  }
0xfa: {  	s15 =	simm.s32 $0x4800  }
0xfb: {  	[tilespmem:s15], [sflag:$0x2] =	stream.indirect_vreg.gather [hbm4b:s6+s4], $0x80, v14, vm0, $0xb8;
	[tilespmem:$0x18480] =	vst v63  }
0xfc: {  	s14 =	simm.s32 $0x5000  }
0xfd: {  	[tilespmem:s14], [sflag:$0x2] =	stream.indirect_vreg.gather [hbm4b:s7+s4], $0x80, v14, vm0, $0xb8;
	[tilespmem:$0x18480] =	vst v63  }
0xfe: {  	s15 =	simm.s32 $0x5800  }
0xff: {  	[tilespmem:s15], [sflag:$0x2] =	stream.indirect_vreg.gather [hbm4b:s8+s4], $0x80, v14, vm0, $0xb8;
	[tilespmem:$0x18480] =	vst v63  }
0x100: {  	s14 =	simm.s32 $0x6000  }
0x101: {  	[tilespmem:s14], [sflag:$0x2] =	stream.indirect_vreg.gather [hbm4b:s10+s4], $0x80, v14, vm0, $0xb8;
	[tilespmem:$0x18480] =	vst v63  }
0x102: {  	s5 =	sadd.s32 $0xC, s21;
	s15 =	simm.s32 $0x6800  }
0x103: {  	v60 =	vor.u32 s5, v0;
	[tilespmem:s15], [sflag:$0x2] =	stream.indirect_vreg.gather [hbm4b:s11+s4], $0x80, v14, vm0, $0xb8;
	[tilespmem:$0x18480] =	vst v63  }
0x104: {  	s14 =	simm.s32 $0x7000  }
0x105: {  	[tilespmem:s14], [sflag:$0x2] =	stream.indirect_vreg.gather [hbm4b:s12+s4], $0x80, v14, vm0, $0xb8;
	[tilespmem:$0x18480] =	vst v63  }
0x106: {  	s15 =	simm.s32 $0x7800  }
0x107: {  	[tilespmem:s15], [sflag:$0x2] =	stream.indirect_vreg.gather [hbm4b:s13+s4], $0x80, v14, vm0, $0xb8;
	[tilespmem:$0x18480] =	vst v63  }
0x108: {  	v14 =	vld.idx.msk [tilespmem:v60+s17+$0x0], $0xffff;
	_ =	sdelay $0x4  }
0x109: {  	v15 =	vshll.u32 v14, $0x2  }
0x10a: {  	v14 =	vand.u32 $0x7F, v14;
	v15 =	vand.u32 $0xFFFFFE00, v15  }
0x10b: {  	v14 =	vor.u32 v14, v15  }
0x10c: {  	v14 =	vadd.s32 v5, v14;
	_ =	sdelay $0x4  }
0x10d: {  	v14 =	vld.idx.msk [tilespmem:v14+s4+$0x0], $0xffff;
	_ =	swait.ge [sflag:s0], $0x4000  }
0x10e: {  	s14 =	rddreg [dreg:$0x9];
	[sflag:s0] =	ssyncset.done $0x0  }
0x10f: {  	p0 =	seq.s32 s21, $0x1E0;
	[sflag:s0] =	ssyncadd.s32 $0xFFFFC000;
	s5 =	sadd.s32 s19, s14  }
0x110: {  	[hbm4b:s5+s22] =	stream.strided.scatter [tilespmem:s23], [sflag:$0xB], $0x4000, s20, s22, $0x38;
	[tilespmem:$0x18480] =	vst v63  }
0x111: {  	s5 =	simm.s32 @!p0 $0x9  }
0x112: {  	_ =	swait.ge @!p0 [sflag:s5], $0x4000  }
0x113: {  	[sflag:s5] =	ssyncset.done @!p0 $0x0  }
0x114: {  	[sflag:s5] =	ssyncadd.s32 @!p0 $0xFFFFC000  }
0x115: {  	v15 =	vld.msk @!p0 [tilespmem:s3+$0xC], $0xf;
	_ =	sdelay $0x4  }
0x116: {  	v16 =	vshll.u32 @!p0 v15, $0x5  }
0x117: {  	v17 =	vlaneseq.u32 @!p0;
	v15 =	vand.u32 @!p0 $0x7, v15;
	v16 =	vand.u32 @!p0 $0xFFFFFF00, v16  }
0x118: {  	v15 =	vor.u32 @!p0 v15, v16;
	v16 =	vand.u32 @!p0 $0x3, v17;
	v17 =	vshrl.u32 @!p0 v17, $0x2  }
0x119: {  	v15 =	vperm.xlane @!p0 v15, v16;
	v17 =	vmul.u32 @!p0 $0x8, v17;
	_ =	sdelay $0x1  }
0x11a: {  	v15 =	vadd.s32 @!p0 v17, v15;
	_ =	sdelay $0x3  }
0x11b: {  	vm2 =	vmmov @!p0 $0xffff;
	s14 =	simm.s32 @!p0 $0x8000;
	s5 =	simm.s32 @!p0 $0x0  }
0x11c: {  	[tilespmem:s14], [sflag:$0x3] =	stream.indirect_vreg.gather @!p0 [hbm4b:s1+s5], $0x80, v15, vm2, $0xb8;
	[tilespmem:$0x18480] =	vst v63  }
0x11d: {  	s14 =	simm.s32 @!p0 $0x8800  }
0x11e: {  	[tilespmem:s14], [sflag:$0x3] =	stream.indirect_vreg.gather @!p0 [hbm4b:s6+s5], $0x80, v15, vm2, $0xb8;
	[tilespmem:$0x18480] =	vst v63  }
0x11f: {  	s14 =	simm.s32 @!p0 $0x9000  }
0x120: {  	[tilespmem:s14], [sflag:$0x3] =	stream.indirect_vreg.gather @!p0 [hbm4b:s7+s5], $0x80, v15, vm2, $0xb8;
	[tilespmem:$0x18480] =	vst v63  }
0x121: {  	s14 =	simm.s32 @!p0 $0x9800  }
0x122: {  	[tilespmem:s14], [sflag:$0x3] =	stream.indirect_vreg.gather @!p0 [hbm4b:s8+s5], $0x80, v15, vm2, $0xb8;
	[tilespmem:$0x18480] =	vst v63  }
0x123: {  	s14 =	simm.s32 @!p0 $0xA000  }
0x124: {  	[tilespmem:s14], [sflag:$0x3] =	stream.indirect_vreg.gather @!p0 [hbm4b:s10+s5], $0x80, v15, vm2, $0xb8;
	[tilespmem:$0x18480] =	vst v63  }
0x125: {  	s15 =	simm.s32 @!p0 $0xA800;
	s14 =	sadd.s32 $0x10, s21  }
0x126: {  	v18 =	vor.u32 s14, v0;
	[tilespmem:s15], [sflag:$0x3] =	stream.indirect_vreg.gather @!p0 [hbm4b:s11+s5], $0x80, v15, vm2, $0xb8;
	[tilespmem:$0x18480] =	vst v63  }
0x127: {  	s14 =	simm.s32 @!p0 $0xB000  }
0x128: {  	[tilespmem:s14], [sflag:$0x3] =	stream.indirect_vreg.gather @!p0 [hbm4b:s12+s5], $0x80, v15, vm2, $0xb8;
	[tilespmem:$0x18480] =	vst v63  }
0x129: {  	s14 =	simm.s32 @!p0 $0xB800  }
0x12a: {  	[tilespmem:s14], [sflag:$0x3] =	stream.indirect_vreg.gather @!p0 [hbm4b:s13+s5], $0x80, v15, vm2, $0xb8;
	[tilespmem:$0x18480] =	vst v63  }
0x12b: {  	v15 =	vld.idx.msk [tilespmem:v18+s17+$0x0], $0xffff;
	_ =	sdelay $0x4  }
0x12c: {  	v18 =	vshll.u32 v15, $0x2  }
0x12d: {  	v15 =	vand.u32 $0x7F, v15;
	v18 =	vand.u32 $0xFFFFFE00, v18  }
0x12e: {  	v15 =	vor.u32 v15, v18  }
0x12f: {  	v15 =	vadd.s32 v6, v15;
	_ =	sdelay $0x4  }
0x130: {  	v15 =	vld.idx.msk [tilespmem:v15+s4+$0x0], $0xffff;
	_ =	swait.ge [sflag:s2], $0x4000  }
0x131: {  	s15 =	rddreg [dreg:$0x8];
	[sflag:s2] =	ssyncset.done $0x0  }
0x132: {  	[sflag:s2] =	ssyncadd.s32 $0xFFFFC000;
	s14 =	sadd.s32 s19, s15  }
0x133: {  	[hbm4b:s14+s22] =	stream.strided.scatter [tilespmem:s25], [sflag:$0xC], $0x4000, s20, s22, $0x38;
	[tilespmem:$0x18480] =	vst v63  }
0x134: {  	s14 =	simm.s32 @!p0 $0xA  }
0x135: {  	_ =	swait.ge @!p0 [sflag:s14], $0x4000  }
0x136: {  	[sflag:s14] =	ssyncset.done @!p0 $0x0  }
0x137: {  	[sflag:s14] =	ssyncadd.s32 @!p0 $0xFFFFC000  }
0x138: {  	v18 =	vld.msk @!p0 [tilespmem:s3+$0x10], $0xf;
	_ =	sdelay $0x4  }
0x139: {  	v19 =	vshll.u32 @!p0 v18, $0x5  }
0x13a: {  	v18 =	vand.u32 @!p0 $0x7, v18;
	v19 =	vand.u32 @!p0 $0xFFFFFF00, v19  }
0x13b: {  	v18 =	vor.u32 @!p0 v18, v19  }
0x13c: {  	v16 =	vperm.xlane @!p0 v18, v16;
	_ =	sdelay $0x1  }
0x13d: {  	v16 =	vadd.s32 @!p0 v17, v16;
	_ =	sdelay $0x3  }
0x13e: {  	s14 =	simm.s32 @!p0 $0xC000  }
0x13f: {  	[tilespmem:s14], [sflag:$0x4] =	stream.indirect_vreg.gather @!p0 [hbm4b:s1+s5], $0x80, v16, vm2, $0xb8;
	[tilespmem:$0x18480] =	vst v63  }
0x140: {  	s14 =	simm.s32 @!p0 $0xC800  }
0x141: {  	[tilespmem:s14], [sflag:$0x4] =	stream.indirect_vreg.gather @!p0 [hbm4b:s6+s5], $0x80, v16, vm2, $0xb8;
	[tilespmem:$0x18480] =	vst v63  }
0x142: {  	s14 =	simm.s32 @!p0 $0xD000  }
0x143: {  	[tilespmem:s14], [sflag:$0x4] =	stream.indirect_vreg.gather @!p0 [hbm4b:s7+s5], $0x80, v16, vm2, $0xb8;
	[tilespmem:$0x18480] =	vst v63  }
0x144: {  	s14 =	simm.s32 @!p0 $0xD800  }
0x145: {  	[tilespmem:s14], [sflag:$0x4] =	stream.indirect_vreg.gather @!p0 [hbm4b:s8+s5], $0x80, v16, vm2, $0xb8;
	[tilespmem:$0x18480] =	vst v63  }
0x146: {  	s14 =	simm.s32 @!p0 $0xE000  }
0x147: {  	[tilespmem:s14], [sflag:$0x4] =	stream.indirect_vreg.gather @!p0 [hbm4b:s10+s5], $0x80, v16, vm2, $0xb8;
	[tilespmem:$0x18480] =	vst v63  }
0x148: {  	s15 =	simm.s32 @!p0 $0xE800;
	s14 =	sadd.s32 $0x14, s21  }
0x149: {  	v61 =	vor.u32 s14, v0;
	[tilespmem:s15], [sflag:$0x4] =	stream.indirect_vreg.gather @!p0 [hbm4b:s11+s5], $0x80, v16, vm2, $0xb8;
	[tilespmem:$0x18480] =	vst v63  }
0x14a: {  	s14 =	simm.s32 @!p0 $0xF000  }
0x14b: {  	[tilespmem:s14], [sflag:$0x4] =	stream.indirect_vreg.gather @!p0 [hbm4b:s12+s5], $0x80, v16, vm2, $0xb8;
	[tilespmem:$0x18480] =	vst v63  }
0x14c: {  	s14 =	simm.s32 @!p0 $0xF800  }
0x14d: {  	[tilespmem:s14], [sflag:$0x4] =	stream.indirect_vreg.gather @!p0 [hbm4b:s13+s5], $0x80, v16, vm2, $0xb8;
	[tilespmem:$0x18480] =	vst v63  }
0x14e: {  	v16 =	vld.idx.msk [tilespmem:v61+s17+$0x0], $0xffff;
	_ =	sdelay $0x4  }
0x14f: {  	v17 =	vshll.u32 v16, $0x2  }
0x150: {  	v16 =	vand.u32 $0x7F, v16;
	v17 =	vand.u32 $0xFFFFFE00, v17  }
0x151: {  	v16 =	vor.u32 v16, v17  }
0x152: {  	v11 =	vnsel vm1, $0x0, v11;
	v16 =	vadd.s32 v7, v16  }
0x153: {  	v10 =	vadd.f32 v11, v10  }
0x154: {  	v11 =	vnsel vm1, $0x0, v12  }
0x155: {  	v10 =	vadd.f32 v11, v10  }
0x156: {  	v11 =	vnsel vm1, $0x0, v13  }
0x157: {  	v10 =	vadd.f32 v11, v10;
	s21 =	sadd.s32 $0x18, s21;
	v11 =	vld.idx.msk [tilespmem:v16+s4+$0x0], $0xffff  }
0x158: {  	v62 =	vnsel vm1, $0x0, v14;
	p0 =	sne.s32 s21, $0x1F8  }
.Ltmp0:
0x159: {  	v10 =	vadd.f32 v62, v10;
	(pc) =	sbr.rel @p0 .LBB2_2-.Ltmp0, $4  }
0x15a: {  	v63 =	vnsel vm1, $0x0, v15  }
0x15b: {  	v10 =	vadd.f32 v63, v10  }
0x15c: {  	v11 =	vnsel vm1, $0x0, v11  }
0x15d: {  	s19 =	sadd.s32 $0x3000, s19;
	s3 =	sadd.s32 $0x18, s3;
	v10 =	vadd.f32 v11, v10  }
0x15e: {  	_ =	swait.ge [sflag:s18], $0x4000  }
0x15f: {  	[sflag:s18] =	ssyncset.done $0x0  }
0x160: {  	s3 =	rddreg [dreg:$0x1a];
	[sflag:s18] =	ssyncadd.s32 $0xFFFFC000  }
0x161: {  	[hbm4b:s3+s22] =	stream.strided.scatter [tilespmem:s4], [sflag:$0x7], $0x4000, s20, s22, $0x38;
	[tilespmem:$0x18480] =	vst v63  }
0x162: {  	v11 =	vld.idx.msk [tilespmem:v8+s17+$0x0], $0xffff;
	_ =	sdelay $0x4  }
0x163: {  	v12 =	vshll.u32 v11, $0x2  }
0x164: {  	v11 =	vand.u32 $0x7F, v11;
	v12 =	vand.u32 $0xFFFFFE00, v12  }
0x165: {  	v11 =	vor.u32 v12, v11  }
0x166: {  	v11 =	vor.u32 v1, v11;
	_ =	sdelay $0x4  }
0x167: {  	v11 =	vld.idx.msk [tilespmem:v11+s4+$0x0], $0xffff;
	_ =	swait.ge [sflag:s24], $0x4000  }
0x168: {  	[sflag:s24] =	ssyncset.done $0x0  }
0x169: {  	s19 =	rddreg [dreg:$0x1b];
	[sflag:s24] =	ssyncadd.s32 $0xFFFFC000  }
0x16a: {  	[hbm4b:s19+s22] =	stream.strided.scatter [tilespmem:s31], [sflag:$0x8], $0x4000, s20, s22, $0x38;
	[tilespmem:$0x18480] =	vst v63  }
0x16b: {  	v63 =	vld.idx.msk [tilespmem:v9+s17+$0x0], $0xffff;
	_ =	sdelay $0x4  }
0x16c: {  	v13 =	vshll.u32 v63, $0x2  }
0x16d: {  	v12 =	vand.u32 $0x7F, v63;
	v13 =	vand.u32 $0xFFFFFE00, v13  }
0x16e: {  	v12 =	vor.u32 v12, v13  }
0x16f: {  	v12 =	vadd.s32 v3, v12;
	_ =	sdelay $0x3  }
0x170: {  	s21 =	simm.s32 $0x9  }
0x171: {  	v12 =	vld.idx.msk [tilespmem:v12+s4+$0x0], $0xffff;
	_ =	swait.ge [sflag:s21], $0x4000  }
0x172: {  	[sflag:s21] =	ssyncset.done $0x0  }
0x173: {  	s5 =	simm.s32 $0xA;
	[sflag:s21] =	ssyncadd.s32 $0xFFFFC000  }
0x174: {  	_ =	swait.ge [sflag:s5], $0x4000  }
0x175: {  	[sflag:s5] =	ssyncset.done $0x0  }
0x176: {  	s14 =	simm.s32 $0xB;
	[sflag:s5] =	ssyncadd.s32 $0xFFFFC000  }
0x177: {  	_ =	swait.ge [sflag:s14], $0x4000  }
0x178: {  	[sflag:s14] =	ssyncset.done $0x0  }
0x179: {  	s15 =	simm.s32 $0xC;
	[sflag:s14] =	ssyncadd.s32 $0xFFFFC000  }
0x17a: {  	_ =	swait.ge [sflag:s15], $0x4000  }
0x17b: {  	[sflag:s15] =	ssyncset.done $0x0  }
0x17c: {  	[sflag:s15] =	ssyncadd.s32 $0xFFFFC000  }
0x17d: {  	_ =	swait.ge [sflag:s28], $0x4000  }
0x17e: {  	v11 =	vnsel vm1, $0x0, v11;
	[sflag:s28] =	ssyncset.done $0x0  }
0x17f: {  	v10 =	vadd.f32 v11, v10;
	[sflag:s28] =	ssyncadd.s32 $0xFFFFC000  }
0x180: {  	v11 =	vnsel vm1, $0x0, v12;
	_ =	swait.ge [sflag:s30], $0x4000  }
0x181: {  	v10 =	vadd.f32 v11, v10;
	[sflag:s30] =	ssyncset.done $0x0  }
0x182: {  	[sflag:s30] =	ssyncadd.s32 $0xFFFFC000  }
0x183: {  	s5 =	simm.s32 $0x18400;
	s15 =	simm.s32 $0xD;
	s16 =	rddreg [dreg:$0x1c];
	[tilespmem:$0x18400] =	vst v10  }
0x184: {  	[hbm4b:s16+s4] =	stream.linear.scatter [tilespmem:s5], [sflag:$0xD], $0x80, $0x38;
	[tilespmem:$0x18480] =	vst v63  }
0x185: {  	_ =	swait.ge [sflag:s15], $0x80  }
0x186: {  	s19 =	rddreg [dreg:$0x1e]  }
0x187: {  	s21 =	rddreg [dreg:$0x1d];
	s5 =	sadd.s32 $0x1, s19  }
0x188: {  	p0 =	sne.s32 s5, s21  }
.Ltmp1:
0x189: {  	_ = 	snop;
	(pc) =	sbr.rel @p0 .LBB2_1-.Ltmp1, $3  }
0x18a: {  	_ =	sdelay $0x1  }
0x18b: {  	s16 =	simm.s32 $0x800;
	[sflag:s15] =	ssyncset.done $0x0  }
0x18c: {  	[sflag:s15] =	ssyncadd.s32 $0xFFFFFF80;
	s19 =	simm.s32 $0x1000;
	s21 =	simm.s32 $0x1800  }
0x18d: {  	_ =	sfence.sel $0x180000  }
0x18e: {  	[bflag:$0x0] =	sbarrier.arrive $0xFFFF  }
0x18f: {  	_ =	strace $0x90000047  }
0x190: {  	s0 =	stileid.u32;
	[bflag:$0x2] =	sbarrier.arrive $0xFFFF  }
0x191: {  	p0 =	sne.s32 s0, $0x0;
	s0 =	rddreg [dreg:$0x5]  }
0x192: {  	s0 =	sadd.s32 @!p0 $0x100000, s0  }
0x193: {  	[sflag:s0] =	ssyncadd.tile.s32 @!p0 $0x1;
	_ =	shalt  }
.Lfunc_end2:
_tile_overlayer_lowered:
.L_overlay_start_2:
0x194: {  	(tag) =	ssettag $0x2  }
0x195: {  	s0 =	rddreg [dreg:$0x0];
	s2 =	stileid.u32  }
0x196: {  	s1 =	rddreg [dreg:$0x1];
	p0 =	sne.s32 s2, $0x0  }
0x197: {  	s3 =	rddreg [dreg:$0x2];
	[bflag:$0x3] =	sbarrier.arrive $0xFFFF;
	s2 =	simm.s32 @!p0 $0x1C0D  }
0x198: {  	[timem:s3], [sflag:s2] =	dma.local @!p0 [hbm:s0], s1  }
0x199: {  	s0 =	simm.s32 @!p0 $0xD  }
0x19a: {  	_ =	swait.ge @!p0 [sflag:s0], s1  }
0x19b: {  	s1 =	ssub.s32 @!p0 $0x0, s1;
	[sflag:s0] =	ssyncset.done @!p0 $0x0  }
0x19c: {  	[sflag:s0] =	ssyncadd.s32 @!p0 s1  }
0x19d: {  	[bflag:$0x3] =	sbarrier.arrive $0xFFFF  }
0x19e: {  	_ =	shalt  }

</sc_bundles>
